<compile_context>
chip_gen: v7x
topology: tpu7x:2x2x1
jax: 0.10.2.dev20260603
libtpu: 0.0.44.dev20260713+nightly
codegen_flags: <defaults>
</compile_context>

<pallas_src>
import functools

import jax
import jax.numpy as jnp
from jax import lax
from jax.experimental import pallas as pl
from jax.experimental.pallas import tpu as pltpu
from jax.experimental.pallas import tpu_sc as plsc

MAX_DELTA = 256
NUM_ROWS = 2 * MAX_DELTA + 1
D_MODEL = 128
LANES = 16

NUM_CORES = 2
NUM_SUBCORES = 16
NUM_WORKERS = NUM_CORES * NUM_SUBCORES

CHUNK = 160
NGROUPS = CHUNK // LANES


def _make_sc_gather(total: int):
    assert total % (NUM_WORKERS * CHUNK * 2) == 0
    per_worker = total // NUM_WORKERS
    n_chunks = per_worker // CHUNK
    n_passes = n_chunks // 2
    mesh = plsc.VectorSubcoreMesh(core_axis_name="c", subcore_axis_name="s")

    @functools.partial(
        pl.kernel,
        out_type=jax.ShapeDtypeStruct((total, D_MODEL), jnp.float32),
        mesh=mesh,
        compiler_params=pltpu.CompilerParams(needs_layout_passes=False),
        scratch_types=[
            pltpu.VMEM((NUM_ROWS * D_MODEL,), jnp.float32),
            pltpu.VMEM((CHUNK,), jnp.int32),
            pltpu.VMEM((CHUNK,), jnp.int32),
            pltpu.VMEM((CHUNK, D_MODEL), jnp.float32),
            pltpu.VMEM((CHUNK, D_MODEL), jnp.float32),
            pltpu.SemaphoreType.DMA,
            pltpu.SemaphoreType.DMA,
            pltpu.SemaphoreType.DMA,
            pltpu.SemaphoreType.DMA,
            pltpu.SemaphoreType.DMA,
        ],
    )
    def sc_gather(delta_hbm, table_hbm, out_hbm, table_v, idx0_v, idx1_v,
                  rows0_v, rows1_v, sem_t, sem_i0, sem_i1, sem_o0, sem_o1):
        idxs = (idx0_v, idx1_v)
        rows = (rows0_v, rows1_v)
        sems_i = (sem_i0, sem_i1)
        sems_o = (sem_o0, sem_o1)
        wid = lax.axis_index("s") * NUM_CORES + lax.axis_index("c")
        base = wid * per_worker

        def start_idx(slot, c):
            pltpu.async_copy(
                delta_hbm.at[pl.ds(base + c * CHUNK, CHUNK)],
                idxs[slot], sems_i[slot])

        def wait_idx(slot):
            pltpu.make_async_copy(
                delta_hbm.at[pl.ds(0, CHUNK)],
                idxs[slot], sems_i[slot]).wait()

        def start_out(slot, c):
            pltpu.async_copy(
                rows[slot],
                out_hbm.at[pl.ds(base + c * CHUNK, CHUNK)], sems_o[slot])

        def wait_out(slot):
            pltpu.make_async_copy(
                rows[slot],
                out_hbm.at[pl.ds(0, CHUNK)], sems_o[slot]).wait()

        tbl = pltpu.async_copy(table_hbm, table_v, sem_t)
        start_idx(0, 0)
        start_idx(1, 1)
        tbl.wait()

        def fill_rows(slot):
            @plsc.parallel_loop(0, NGROUPS)
            def group(g):
                lane_iota = lax.iota(jnp.int32, LANES)
                sel = jnp.clip(
                    idxs[slot][pl.ds(g * LANES, LANES)] + MAX_DELTA,
                    0, 2 * MAX_DELTA)
                flat = sel * D_MODEL
                r16 = lane_iota + g * LANES

                @plsc.parallel_loop(0, D_MODEL, unroll=32)
                def col(c):
                    colv = (lane_iota + c) & (D_MODEL - 1)
                    vals = plsc.load_gather(table_v, [flat + colv])
                    plsc.store_scatter(rows[slot], [r16, colv], vals)

        def pass_body(g, carry):
            for b in range(2):
                c = g * 2 + b
                wait_idx(b)

                @pl.when(g > 0)
                def _():
                    wait_out(b)

                fill_rows(b)
                start_out(b, c)

                @pl.when(g + 1 < n_passes)
                def _():
                    start_idx(b, c + 2)
            return carry

        lax.fori_loop(0, n_passes, pass_body, 0)

        wait_out(0)
        wait_out(1)

    return sc_gather


def kernel(delta, table):
    total = delta.size
    flat = delta.reshape(total)
    out = _make_sc_gather(total)(flat, table.reshape(NUM_ROWS * D_MODEL))
    return out.reshape(*delta.shape, D_MODEL)

# --- scband reference (transcript-rebuilt; emitter-appended) ---
"""Pipeline reference for scband-temporal-encoding-41334765256792 (READ-ONLY COPY).

The authoritative reference and input builder live on the scoring server;
editing this copy changes nothing except your own understanding.
"""

import jax, jax.numpy as jnp
import numpy as np

MAX_DELTA = 256
D_MODEL = 128

def setup_inputs(seed: int = 0) -> dict:
    key = jax.random.key(seed)
    k1, k2 = jax.random.split(key)
    delta = jax.random.randint(k1, (16384, 200), 0, 512, dtype=jnp.int32)
    table = jax.random.normal(k2, (2 * MAX_DELTA + 1, D_MODEL), dtype=jnp.float32) * 0.02
    return {"delta": delta, "table": table}

def reference(delta, table):
    # clamp(delta + max_delta, 0, 2*max_delta) then embedding lookup
    delta_clamped = jnp.clip(delta + MAX_DELTA, 0, 2 * MAX_DELTA)
    return jnp.take(table, delta_clamped, axis=0)

if __name__ == "__main__":
    import jax
    _d = setup_inputs()
    print(jax.jit(kernel)(*tuple(_d.values())))

</pallas_src>

<mosaic_0001>
#map = affine_map<(d0, d1) -> (0)>
#map1 = affine_map<(d0, d1) -> (0, 0)>
module attributes {stable_mosaic.version = 14 : i64} {
  func.func @sc_gather(%arg0: i32, %arg1: i32, %arg2: memref<3276800xi32, #tpu.memory_space<hbm>>, %arg3: memref<65664xf32, #tpu.memory_space<hbm>>, %arg4: memref<3276800x128xf32, #tpu.memory_space<hbm>>, %arg5: memref<65664xf32, #tpu.memory_space<vmem>>, %arg6: memref<160xi32, #tpu.memory_space<vmem>>, %arg7: memref<160xi32, #tpu.memory_space<vmem>>, %arg8: memref<160x128xf32, #tpu.memory_space<vmem>>, %arg9: memref<160x128xf32, #tpu.memory_space<vmem>>, %arg10: memref<!tpu.dma_semaphore, #tpu.memory_space<semaphore_mem>>, %arg11: memref<!tpu.dma_semaphore, #tpu.memory_space<semaphore_mem>>, %arg12: memref<!tpu.dma_semaphore, #tpu.memory_space<semaphore_mem>>, %arg13: memref<!tpu.dma_semaphore, #tpu.memory_space<semaphore_mem>>, %arg14: memref<!tpu.dma_semaphore, #tpu.memory_space<semaphore_mem>>) attributes {dimension_semantics = [#tpu.dimension_semantics<core_parallel>, #tpu.dimension_semantics<subcore_parallel>], iteration_bounds = array<i64: 2, 16>, scalar_prefetch = 0 : i64, scratch_operands = 10 : i64, tpu.core_type = #tpu.core_type<sc_vector_subcore>, window_params = [{transform_indices = #map}, {transform_indices = #map}, {transform_indices = #map1}]} {
    %mul3A = arith.constant 2 : i32
    %mul3A_0 = arith.muli %arg1, %mul3A : i32
    %add3A = arith.addi %mul3A_0, %arg0 : i32
    %mul3A_1 = arith.constant 102400 : i32
    %mul3A_2 = arith.muli %add3A, %mul3A_1 : i32
    tpu.enqueue_dma source(%arg3 : memref<65664xf32, #tpu.memory_space<hbm>>) target(%arg5 : memref<65664xf32, #tpu.memory_space<vmem>>) target_semaphore(%arg10 : memref<!tpu.dma_semaphore, #tpu.memory_space<semaphore_mem>>)
    %add3A_3 = arith.constant 0 : i32
    %add3A_4 = arith.addi %mul3A_2, %add3A_3 : i32
    %dma_start3A = tpu.memref_slice %arg2[%add3A_4] : memref<3276800xi32, #tpu.memory_space<hbm>> -> memref<160xi32, #tpu.memory_space<hbm>>
    %dma_start3A_5 = tpu.memref_slice %arg2[%add3A_4] : memref<3276800xi32, #tpu.memory_space<hbm>> -> memref<160xi32, #tpu.memory_space<hbm>>
    tpu.enqueue_dma source(%dma_start3A_5 : memref<160xi32, #tpu.memory_space<hbm>>) target(%arg6 : memref<160xi32, #tpu.memory_space<vmem>>) target_semaphore(%arg11 : memref<!tpu.dma_semaphore, #tpu.memory_space<semaphore_mem>>)
    %add3A_6 = arith.constant 160 : i32
    %add3A_7 = arith.addi %mul3A_2, %add3A_6 : i32
    %dma_start3A_8 = tpu.memref_slice %arg2[%add3A_7] : memref<3276800xi32, #tpu.memory_space<hbm>> -> memref<160xi32, #tpu.memory_space<hbm>>
    %dma_start3A_9 = tpu.memref_slice %arg2[%add3A_7] : memref<3276800xi32, #tpu.memory_space<hbm>> -> memref<160xi32, #tpu.memory_space<hbm>>
    tpu.enqueue_dma source(%dma_start3A_9 : memref<160xi32, #tpu.memory_space<hbm>>) target(%arg7 : memref<160xi32, #tpu.memory_space<vmem>>) target_semaphore(%arg12 : memref<!tpu.dma_semaphore, #tpu.memory_space<semaphore_mem>>)
    tpu.wait_dma2 semaphore(%arg10 : memref<!tpu.dma_semaphore, #tpu.memory_space<semaphore_mem>>) src(%arg3 : memref<65664xf32, #tpu.memory_space<hbm>>) dst(%arg5 : memref<65664xf32, #tpu.memory_space<vmem>>)
    %scan3A = arith.constant 0 : i32
    %scan3A_10 = arith.constant 0 : i32
    %scan3A_11 = arith.constant 320 : i32
    %scan3A_12 = arith.addi %scan3A_10, %scan3A_11 : i32
    %scan3A_13 = arith.constant 1 : i32
    scf.for %scan3A_26 = %scan3A_10 to %scan3A_12 step %scan3A_13  : i32 {
      %mul3A_27 = arith.constant 2 : i32
      %mul3A_28 = arith.muli %scan3A_26, %mul3A_27 : i32
      %add3A_29 = arith.constant 0 : i32
      %add3A_30 = arith.addi %mul3A_28, %add3A_29 : i32
      %dma_wait3A_31 = arith.constant 0 : i32
      %dma_wait3A_32 = tpu.memref_slice %arg2[%dma_wait3A_31] : memref<3276800xi32, #tpu.memory_space<hbm>> -> memref<160xi32, #tpu.memory_space<hbm>>
      %dma_wait3A_33 = arith.constant 0 : i32
      %dma_wait3A_34 = tpu.memref_slice %arg2[%dma_wait3A_33] : memref<3276800xi32, #tpu.memory_space<hbm>> -> memref<160xi32, #tpu.memory_space<hbm>>
      tpu.wait_dma2 semaphore(%arg11 : memref<!tpu.dma_semaphore, #tpu.memory_space<semaphore_mem>>) src(%dma_wait3A_34 : memref<160xi32, #tpu.memory_space<hbm>>) dst(%arg6 : memref<160xi32, #tpu.memory_space<vmem>>)
      %gt3A = arith.constant 0 : i32
      %gt3A_35 = arith.cmpi sgt, %scan3A_26, %gt3A : i32
      %convert_element_type3A = arith.extui %gt3A_35 : i1 to i32
      %cond3A = arith.constant 0 : i32
      %cond3A_36 = arith.cmpi ne, %convert_element_type3A, %cond3A : i32
      scf.if %cond3A_36 {
        %dma_wait3A_82 = arith.constant 0 : i32
        %dma_wait3A_83 = arith.constant 0 : i32
        %dma_wait3A_84 = tpu.memref_slice %arg4[%dma_wait3A_82, %dma_wait3A_83] : memref<3276800x128xf32, #tpu.memory_space<hbm>> -> memref<160x128xf32, #tpu.memory_space<hbm>>
        %dma_wait3A_85 = arith.constant 0 : i32
        %dma_wait3A_86 = arith.constant 0 : i32
        %dma_wait3A_87 = tpu.memref_slice %arg4[%dma_wait3A_85, %dma_wait3A_86] : memref<3276800x128xf32, #tpu.memory_space<hbm>> -> memref<160x128xf32, #tpu.memory_space<hbm>>
        tpu.wait_dma2 semaphore(%arg13 : memref<!tpu.dma_semaphore, #tpu.memory_space<semaphore_mem>>) src(%arg8 : memref<160x128xf32, #tpu.memory_space<vmem>>) dst(%dma_wait3A_87 : memref<160x128xf32, #tpu.memory_space<hbm>>)
      } else {
      }
      %parallel_loop3A = arith.constant 0 : i32
      %parallel_loop3A_37 = arith.constant 10 : i32
      %parallel_loop3A_38 = arith.constant 1 : i32
      scf.for %parallel_loop3A_82 = %parallel_loop3A to %parallel_loop3A_37 step %parallel_loop3A_38  : i32 {
        %parallel_loop3A_83 = tpu.iota {dimensions = array<i32: 0>} : vector<16xi32>
        %parallel_loop3A_84 = arith.constant 16 : i32
        %parallel_loop3A_85 = arith.muli %parallel_loop3A_82, %parallel_loop3A_84 : i32
        %parallel_loop3A_86 = arith.index_cast %parallel_loop3A_85 : i32 to index
        %parallel_loop3A_87 = tpu.vector_load %arg6[%parallel_loop3A_86] {strides = array<i32>} : memref<160xi32, #tpu.memory_space<vmem>>, vector<16xi32>,
        %parallel_loop3A_88 = arith.constant 256 : i32
        %parallel_loop3A_89 = vector.broadcast %parallel_loop3A_88 : i32 to vector<16xi32>
        %parallel_loop3A_90 = arith.addi %parallel_loop3A_87, %parallel_loop3A_89 : vector<16xi32>
        %parallel_loop3A_91 = arith.constant 0 : i32
        %parallel_loop3A_92 = arith.constant 512 : i32
        %parallel_loop3A_93 = vector.broadcast %parallel_loop3A_91 : i32 to vector<16xi32>
        %parallel_loop3A_94 = arith.maxsi %parallel_loop3A_93, %parallel_loop3A_90 : vector<16xi32>
        %parallel_loop3A_95 = vector.broadcast %parallel_loop3A_92 : i32 to vector<16xi32>
        %parallel_loop3A_96 = arith.minsi %parallel_loop3A_95, %parallel_loop3A_94 : vector<16xi32>
        %parallel_loop3A_97 = arith.constant 128 : i32
        %parallel_loop3A_98 = vector.broadcast %parallel_loop3A_97 : i32 to vector<16xi32>
        %parallel_loop3A_99 = arith.muli %parallel_loop3A_96, %parallel_loop3A_98 : vector<16xi32>
        %parallel_loop3A_100 = arith.constant 16 : i32
        %parallel_loop3A_101 = arith.muli %parallel_loop3A_82, %parallel_loop3A_100 : i32
        %parallel_loop3A_102 = vector.broadcast %parallel_loop3A_101 : i32 to vector<16xi32>
        %parallel_loop3A_103 = arith.addi %parallel_loop3A_83, %parallel_loop3A_102 : vector<16xi32>
        %parallel_loop3A_104 = arith.constant 0 : i32
        %parallel_loop3A_105 = arith.constant 128 : i32
        %parallel_loop3A_106 = arith.constant 1 : i32
        scf.for %parallel_loop3A_107 = %parallel_loop3A_104 to %parallel_loop3A_105 step %parallel_loop3A_106  : i32 {
          %parallel_loop3A_108 = vector.broadcast %parallel_loop3A_107 : i32 to vector<16xi32>
          %parallel_loop3A_109 = arith.addi %parallel_loop3A_83, %parallel_loop3A_108 : vector<16xi32>
          %parallel_loop3A_110 = arith.constant 127 : i32
          %parallel_loop3A_111 = vector.broadcast %parallel_loop3A_110 : i32 to vector<16xi32>
          %parallel_loop3A_112 = arith.andi %parallel_loop3A_109, %parallel_loop3A_111 : vector<16xi32>
          %parallel_loop3A_113 = arith.addi %parallel_loop3A_99, %parallel_loop3A_112 : vector<16xi32>
          %parallel_loop3A_114 = tpu.vector_load_idx %arg5[%parallel_loop3A_113] : memref<65664xf32, #tpu.memory_space<vmem>>[vector<16xi32>], vector<16xf32>,
          tpu.vector_store_idx %arg8[%parallel_loop3A_103, %parallel_loop3A_112], %parallel_loop3A_114 : memref<160x128xf32, #tpu.memory_space<vmem>>[vector<16xi32>, vector<16xi32>], vector<16xf32>,
        } {sc.loop_unroll_factor = 32 : i64, sc.parallel_access}
      } {sc.loop_unroll_factor = 1 : i64, sc.parallel_access}
      %mul3A_39 = arith.constant 160 : i32
      %mul3A_40 = arith.muli %add3A_30, %mul3A_39 : i32
      %add3A_41 = arith.addi %mul3A_2, %mul3A_40 : i32
      %dma_start3A_42 = arith.constant 0 : i32
      %dma_start3A_43 = tpu.memref_slice %arg4[%add3A_41, %dma_start3A_42] : memref<3276800x128xf32, #tpu.memory_space<hbm>> -> memref<160x128xf32, #tpu.memory_space<hbm>>
      %dma_start3A_44 = arith.constant 0 : i32
      %dma_start3A_45 = tpu.memref_slice %arg4[%add3A_41, %dma_start3A_44] : memref<3276800x128xf32, #tpu.memory_space<hbm>> -> memref<160x128xf32, #tpu.memory_space<hbm>>
      tpu.enqueue_dma source(%arg8 : memref<160x128xf32, #tpu.memory_space<vmem>>) target(%dma_start3A_45 : memref<160x128xf32, #tpu.memory_space<hbm>>) target_semaphore(%arg13 : memref<!tpu.dma_semaphore, #tpu.memory_space<semaphore_mem>>)
      %add3A_46 = arith.constant 1 : i32
      %add3A_47 = arith.addi %scan3A_26, %add3A_46 : i32
      %lt3A = arith.constant 320 : i32
      %lt3A_48 = arith.cmpi slt, %add3A_47, %lt3A : i32
      %convert_element_type3A_49 = arith.extui %lt3A_48 : i1 to i32
      %cond3A_50 = arith.constant 0 : i32
      %cond3A_51 = arith.cmpi ne, %convert_element_type3A_49, %cond3A_50 : i32
      scf.if %cond3A_51 {
        %add3A_82 = arith.constant 2 : i32
        %add3A_83 = arith.addi %add3A_30, %add3A_82 : i32
        %mul3A_84 = arith.constant 160 : i32
        %mul3A_85 = arith.muli %add3A_83, %mul3A_84 : i32
        %add3A_86 = arith.addi %mul3A_2, %mul3A_85 : i32
        %dma_start3A_87 = tpu.memref_slice %arg2[%add3A_86] : memref<3276800xi32, #tpu.memory_space<hbm>> -> memref<160xi32, #tpu.memory_space<hbm>>
        %dma_start3A_88 = tpu.memref_slice %arg2[%add3A_86] : memref<3276800xi32, #tpu.memory_space<hbm>> -> memref<160xi32, #tpu.memory_space<hbm>>
        tpu.enqueue_dma source(%dma_start3A_88 : memref<160xi32, #tpu.memory_space<hbm>>) target(%arg6 : memref<160xi32, #tpu.memory_space<vmem>>) target_semaphore(%arg11 : memref<!tpu.dma_semaphore, #tpu.memory_space<semaphore_mem>>)
      } else {
      }
      %mul3A_52 = arith.constant 2 : i32
      %mul3A_53 = arith.muli %scan3A_26, %mul3A_52 : i32
      %add3A_54 = arith.constant 1 : i32
      %add3A_55 = arith.addi %mul3A_53, %add3A_54 : i32
      %dma_wait3A_56 = arith.constant 0 : i32
      %dma_wait3A_57 = tpu.memref_slice %arg2[%dma_wait3A_56] : memref<3276800xi32, #tpu.memory_space<hbm>> -> memref<160xi32, #tpu.memory_space<hbm>>
      %dma_wait3A_58 = arith.constant 0 : i32
      %dma_wait3A_59 = tpu.memref_slice %arg2[%dma_wait3A_58] : memref<3276800xi32, #tpu.memory_space<hbm>> -> memref<160xi32, #tpu.memory_space<hbm>>
      tpu.wait_dma2 semaphore(%arg12 : memref<!tpu.dma_semaphore, #tpu.memory_space<semaphore_mem>>) src(%dma_wait3A_59 : memref<160xi32, #tpu.memory_space<hbm>>) dst(%arg7 : memref<160xi32, #tpu.memory_space<vmem>>)
      %gt3A_60 = arith.constant 0 : i32
      %gt3A_61 = arith.cmpi sgt, %scan3A_26, %gt3A_60 : i32
      %convert_element_type3A_62 = arith.extui %gt3A_61 : i1 to i32
      %cond3A_63 = arith.constant 0 : i32
      %cond3A_64 = arith.cmpi ne, %convert_element_type3A_62, %cond3A_63 : i32
      scf.if %cond3A_64 {
        %dma_wait3A_82 = arith.constant 0 : i32
        %dma_wait3A_83 = arith.constant 0 : i32
        %dma_wait3A_84 = tpu.memref_slice %arg4[%dma_wait3A_82, %dma_wait3A_83] : memref<3276800x128xf32, #tpu.memory_space<hbm>> -> memref<160x128xf32, #tpu.memory_space<hbm>>
        %dma_wait3A_85 = arith.constant 0 : i32
        %dma_wait3A_86 = arith.constant 0 : i32
        %dma_wait3A_87 = tpu.memref_slice %arg4[%dma_wait3A_85, %dma_wait3A_86] : memref<3276800x128xf32, #tpu.memory_space<hbm>> -> memref<160x128xf32, #tpu.memory_space<hbm>>
        tpu.wait_dma2 semaphore(%arg14 : memref<!tpu.dma_semaphore, #tpu.memory_space<semaphore_mem>>) src(%arg9 : memref<160x128xf32, #tpu.memory_space<vmem>>) dst(%dma_wait3A_87 : memref<160x128xf32, #tpu.memory_space<hbm>>)
      } else {
      }
      %parallel_loop3A_65 = arith.constant 0 : i32
      %parallel_loop3A_66 = arith.constant 10 : i32
      %parallel_loop3A_67 = arith.constant 1 : i32
      scf.for %parallel_loop3A_82 = %parallel_loop3A_65 to %parallel_loop3A_66 step %parallel_loop3A_67  : i32 {
        %parallel_loop3A_83 = tpu.iota {dimensions = array<i32: 0>} : vector<16xi32>
        %parallel_loop3A_84 = arith.constant 16 : i32
        %parallel_loop3A_85 = arith.muli %parallel_loop3A_82, %parallel_loop3A_84 : i32
        %parallel_loop3A_86 = arith.index_cast %parallel_loop3A_85 : i32 to index
        %parallel_loop3A_87 = tpu.vector_load %arg7[%parallel_loop3A_86] {strides = array<i32>} : memref<160xi32, #tpu.memory_space<vmem>>, vector<16xi32>,
        %parallel_loop3A_88 = arith.constant 256 : i32
        %parallel_loop3A_89 = vector.broadcast %parallel_loop3A_88 : i32 to vector<16xi32>
        %parallel_loop3A_90 = arith.addi %parallel_loop3A_87, %parallel_loop3A_89 : vector<16xi32>
        %parallel_loop3A_91 = arith.constant 0 : i32
        %parallel_loop3A_92 = arith.constant 512 : i32
        %parallel_loop3A_93 = vector.broadcast %parallel_loop3A_91 : i32 to vector<16xi32>
        %parallel_loop3A_94 = arith.maxsi %parallel_loop3A_93, %parallel_loop3A_90 : vector<16xi32>
        %parallel_loop3A_95 = vector.broadcast %parallel_loop3A_92 : i32 to vector<16xi32>
        %parallel_loop3A_96 = arith.minsi %parallel_loop3A_95, %parallel_loop3A_94 : vector<16xi32>
        %parallel_loop3A_97 = arith.constant 128 : i32
        %parallel_loop3A_98 = vector.broadcast %parallel_loop3A_97 : i32 to vector<16xi32>
        %parallel_loop3A_99 = arith.muli %parallel_loop3A_96, %parallel_loop3A_98 : vector<16xi32>
        %parallel_loop3A_100 = arith.constant 16 : i32
        %parallel_loop3A_101 = arith.muli %parallel_loop3A_82, %parallel_loop3A_100 : i32
        %parallel_loop3A_102 = vector.broadcast %parallel_loop3A_101 : i32 to vector<16xi32>
        %parallel_loop3A_103 = arith.addi %parallel_loop3A_83, %parallel_loop3A_102 : vector<16xi32>
        %parallel_loop3A_104 = arith.constant 0 : i32
        %parallel_loop3A_105 = arith.constant 128 : i32
        %parallel_loop3A_106 = arith.constant 1 : i32
        scf.for %parallel_loop3A_107 = %parallel_loop3A_104 to %parallel_loop3A_105 step %parallel_loop3A_106  : i32 {
          %parallel_loop3A_108 = vector.broadcast %parallel_loop3A_107 : i32 to vector<16xi32>
          %parallel_loop3A_109 = arith.addi %parallel_loop3A_83, %parallel_loop3A_108 : vector<16xi32>
          %parallel_loop3A_110 = arith.constant 127 : i32
          %parallel_loop3A_111 = vector.broadcast %parallel_loop3A_110 : i32 to vector<16xi32>
          %parallel_loop3A_112 = arith.andi %parallel_loop3A_109, %parallel_loop3A_111 : vector<16xi32>
          %parallel_loop3A_113 = arith.addi %parallel_loop3A_99, %parallel_loop3A_112 : vector<16xi32>
          %parallel_loop3A_114 = tpu.vector_load_idx %arg5[%parallel_loop3A_113] : memref<65664xf32, #tpu.memory_space<vmem>>[vector<16xi32>], vector<16xf32>,
          tpu.vector_store_idx %arg9[%parallel_loop3A_103, %parallel_loop3A_112], %parallel_loop3A_114 : memref<160x128xf32, #tpu.memory_space<vmem>>[vector<16xi32>, vector<16xi32>], vector<16xf32>,
        } {sc.loop_unroll_factor = 32 : i64, sc.parallel_access}
      } {sc.loop_unroll_factor = 1 : i64, sc.parallel_access}
      %mul3A_68 = arith.constant 160 : i32
      %mul3A_69 = arith.muli %add3A_55, %mul3A_68 : i32
      %add3A_70 = arith.addi %mul3A_2, %mul3A_69 : i32
      %dma_start3A_71 = arith.constant 0 : i32
      %dma_start3A_72 = tpu.memref_slice %arg4[%add3A_70, %dma_start3A_71] : memref<3276800x128xf32, #tpu.memory_space<hbm>> -> memref<160x128xf32, #tpu.memory_space<hbm>>
      %dma_start3A_73 = arith.constant 0 : i32
      %dma_start3A_74 = tpu.memref_slice %arg4[%add3A_70, %dma_start3A_73] : memref<3276800x128xf32, #tpu.memory_space<hbm>> -> memref<160x128xf32, #tpu.memory_space<hbm>>
      tpu.enqueue_dma source(%arg9 : memref<160x128xf32, #tpu.memory_space<vmem>>) target(%dma_start3A_74 : memref<160x128xf32, #tpu.memory_space<hbm>>) target_semaphore(%arg14 : memref<!tpu.dma_semaphore, #tpu.memory_space<semaphore_mem>>)
      %add3A_75 = arith.constant 1 : i32
      %add3A_76 = arith.addi %scan3A_26, %add3A_75 : i32
      %lt3A_77 = arith.constant 320 : i32
      %lt3A_78 = arith.cmpi slt, %add3A_76, %lt3A_77 : i32
      %convert_element_type3A_79 = arith.extui %lt3A_78 : i1 to i32
      %cond3A_80 = arith.constant 0 : i32
      %cond3A_81 = arith.cmpi ne, %convert_element_type3A_79, %cond3A_80 : i32
      scf.if %cond3A_81 {
        %add3A_82 = arith.constant 2 : i32
        %add3A_83 = arith.addi %add3A_55, %add3A_82 : i32
        %mul3A_84 = arith.constant 160 : i32
        %mul3A_85 = arith.muli %add3A_83, %mul3A_84 : i32
        %add3A_86 = arith.addi %mul3A_2, %mul3A_85 : i32
        %dma_start3A_87 = tpu.memref_slice %arg2[%add3A_86] : memref<3276800xi32, #tpu.memory_space<hbm>> -> memref<160xi32, #tpu.memory_space<hbm>>
        %dma_start3A_88 = tpu.memref_slice %arg2[%add3A_86] : memref<3276800xi32, #tpu.memory_space<hbm>> -> memref<160xi32, #tpu.memory_space<hbm>>
        tpu.enqueue_dma source(%dma_start3A_88 : memref<160xi32, #tpu.memory_space<hbm>>) target(%arg7 : memref<160xi32, #tpu.memory_space<vmem>>) target_semaphore(%arg12 : memref<!tpu.dma_semaphore, #tpu.memory_space<semaphore_mem>>)
      } else {
      }
    }
    %scan3A_14 = arith.constant 320 : i32
    %dma_wait3A = arith.constant 0 : i32
    %dma_wait3A_15 = arith.constant 0 : i32
    %dma_wait3A_16 = tpu.memref_slice %arg4[%dma_wait3A, %dma_wait3A_15] : memref<3276800x128xf32, #tpu.memory_space<hbm>> -> memref<160x128xf32, #tpu.memory_space<hbm>>
    %dma_wait3A_17 = arith.constant 0 : i32
    %dma_wait3A_18 = arith.constant 0 : i32
    %dma_wait3A_19 = tpu.memref_slice %arg4[%dma_wait3A_17, %dma_wait3A_18] : memref<3276800x128xf32, #tpu.memory_space<hbm>> -> memref<160x128xf32, #tpu.memory_space<hbm>>
    tpu.wait_dma2 semaphore(%arg13 : memref<!tpu.dma_semaphore, #tpu.memory_space<semaphore_mem>>) src(%arg8 : memref<160x128xf32, #tpu.memory_space<vmem>>) dst(%dma_wait3A_19 : memref<160x128xf32, #tpu.memory_space<hbm>>)
    %dma_wait3A_20 = arith.constant 0 : i32
    %dma_wait3A_21 = arith.constant 0 : i32
    %dma_wait3A_22 = tpu.memref_slice %arg4[%dma_wait3A_20, %dma_wait3A_21] : memref<3276800x128xf32, #tpu.memory_space<hbm>> -> memref<160x128xf32, #tpu.memory_space<hbm>>
    %dma_wait3A_23 = arith.constant 0 : i32
    %dma_wait3A_24 = arith.constant 0 : i32
    %dma_wait3A_25 = tpu.memref_slice %arg4[%dma_wait3A_23, %dma_wait3A_24] : memref<3276800x128xf32, #tpu.memory_space<hbm>> -> memref<160x128xf32, #tpu.memory_space<hbm>>
    tpu.wait_dma2 semaphore(%arg14 : memref<!tpu.dma_semaphore, #tpu.memory_space<semaphore_mem>>) src(%arg9 : memref<160x128xf32, #tpu.memory_space<vmem>>) dst(%dma_wait3A_25 : memref<160x128xf32, #tpu.memory_space<hbm>>)
    return
  }
}

</mosaic_0001>

<sc_bundles>
// kernel: kernel.3.cloned.1.call-start
scs
__scs_entry_jumppad:
0x0: {  	(pc) =	sbr.rel $0x88, $3  }
0x1: {  	(tag) =	ssettag $0x0;
	lr =	simm.s32 $0x1  }
0x2: {  	[smem:$0x3F9F] =	sst lr;
	_ =	strace $0xD0000000  }
0x3: {  	_ = 	snop  }
0x4: {  	_ = 	snop  }
0x5: {  	_ = 	snop  }
0x6: {  	_ = 	snop  }
0x7: {  	_ = 	snop  }
__scs_overlays_trampoline_lowered:
0x8: {  	[smem:$0x3FAE] =	sst s0  }
0x9: {  	[smem:$0x3FAF] =	sst s1  }
0xa: {  	[smem:$0x3FB0] =	sst s2  }
0xb: {  	[smem:$0x3FB1] =	sst s3  }
0xc: {  	[smem:$0x3FB2] =	sst s4  }
0xd: {  	[smem:$0x3FB3] =	sst s5  }
0xe: {  	[smem:$0x3FB4] =	sst s6  }
0xf: {  	[smem:$0x3FB5] =	sst s7  }
0x10: {  	[smem:$0x3FB6] =	sst s8  }
0x11: {  	[smem:$0x3FB7] =	sst s9;
	s0 =	simm.s32 @!p0 $0x0  }
0x12: {  	s1 =	sld [smem:$0x3F9D];
	s0 =	simm.s32 @p0 $0x1  }
0x13: {  	[smem:$0x3FB8] =	sst s0;
	s0 =	simm.s32 @!p1 $0x0  }
0x14: {  	s2 =	sld [smem:$0x3F9C];
	s0 =	simm.s32 @p1 $0x1  }
0x15: {  	[smem:$0x3FB9] =	sst s0;
	s0 =	simm.s32 @!p2 $0x0  }
0x16: {  	s3 =	sld [smem:$0x3FDB];
	s0 =	simm.s32 @p2 $0x1  }
0x17: {  	s4 =	simm.s32 $0x1BF5;
	[smem:$0x3FBB] =	sst s0  }
0x18: {  	s0 =	sld [smem:$0x3F9E];
	_ =	swait.ge [sflag:s4], $0x0  }
0x19: {  	s7 =	sld [smem:$0x3F9F]  }
0x1a: {  	s8 =	sadd.s32 $0xFFFFE003, lr  }
0x1b: {  	s9 =	sadd.s32 $0xFFFFFEF7, lr;
	s5 =	simm.s32 $0xFFFFFFFF;
	p2 =	slt.u32 s8, $0xFFFFF086  }
0x1c: {  	p1 =	slt.u32 s9, $0xF7A;
	s5 =	simm.s32 @!p2 $0x0  }
0x1d: {  	s5 =	simm.s32 @p1 $0x1;
	p0 =	seq.s32 s7, s2  }
0x1e: {  	s7 =	smul.u32 @!p0 $0xF7A, s2;
	p2 =	seq.s32 @!p0 s5, $0x0  }
0x1f: {  	s9 =	smul.u32 $0xF7A, s1;
	s8 =	simm.s32 @!p0 $0x1BF5;
	p2 =	por !p2, p0  }
0x20: {  	[sflag:s8] =	ssyncset.s32 @!p0 $0xFFFFF086;
	s6 =	sadd.s32 @!p0 s3, s7;
	s7 =	simm.s32 @!p0 $0x108  }
0x21: {  	s3 =	sadd.s32 s3, s9;
	s6 =	sadd.s32 @!p0 $0x88, s6;
	s7 =	simm.s32 @p2 $0x1082  }
0x22: {  	[simem:s7], [sflag:s8] =	dma.local @!p0 [hbm:s6], $0xF7A  }
0x23: {  	s9 =	sor.u32 $0xD0000000, s2;
	s6 =	simm.s32 $0x108;
	_ =	swait.ge @!p0 [sflag:s8], $0x0  }
0x24: {  	s3 =	sadd.s32 $0x88, s3;
	s6 =	simm.s32 @!p1 $0x1082;
	[sflag:s4] =	ssyncset.s32 $0xFFFFF086  }
0x25: {  	[simem:s6], [sflag:s4] =	dma.local [hbm:s3], $0xF7A  }
0x26: {  	[smem:$0x3F9F] =	sst s1;
	(tag) =	ssettag s2;
	_ =	strace s9  }
0x27: {  	s1 =	sld [smem:$0x3FAF]  }
0x28: {  	s2 =	sld [smem:$0x3FB0]  }
0x29: {  	s4 =	sld [smem:$0x3FB2]  }
0x2a: {  	p0 =	seq.s32 s5, $0x0;
	s5 =	sld [smem:$0x3FB3]  }
0x2b: {  	s6 =	sld [smem:$0x3FB4]  }
0x2c: {  	s7 =	sld [smem:$0x3FB5]  }
0x2d: {  	s3 =	simm.s32 $0x108;
	s8 =	sld [smem:$0x3FB6]  }
0x2e: {  	s3 =	simm.s32 @!p0 $0x1082;
	s9 =	sld [smem:$0x3FB7]  }
0x2f: {  	lr =	sadd.s32 s0, s3;
	s0 =	sld [smem:$0x3FAE]  }
0x30: {  	s3 =	sld [smem:$0x3FB1]  }
0x31: {  	[smem:$0x3FBA] =	sst s10  }
0x32: {  	s10 =	sld [smem:$0x3FB8];
	_ =	sdelay $0x3  }
0x33: {  	p0 =	seq.s32 s10, $0x1;
	s10 =	sld [smem:$0x3FBA];
	_ =	sdelay $0x3  }
0x34: {  	[smem:$0x3FBA] =	sst s10  }
0x35: {  	s10 =	sld [smem:$0x3FB9];
	_ =	sdelay $0x3  }
0x36: {  	p1 =	seq.s32 s10, $0x1;
	s10 =	sld [smem:$0x3FBA];
	_ =	sdelay $0x3  }
0x37: {  	[smem:$0x3FBA] =	sst s10  }
0x38: {  	s10 =	sld [smem:$0x3FBB]  }
0x39: {  	_ = 	snop;
	(pc) =	sbr.ind lr, $3  }
0x3a: {  	_ = 	snop  }
0x3b: {  	_ = 	snop  }
0x3c: {  	p2 =	seq.s32 s10, $0x1;
	s10 =	sld [smem:$0x3FBA]  }
0x3d: {  	_ =	shalt  }
0x3e: {  	_ =	shalt  }
0x3f: {  	_ =	shalt  }
0x40: {  	_ =	shalt  }
0x41: {  	_ =	shalt  }
0x42: {  	_ =	shalt  }
0x43: {  	_ =	shalt  }
0x44: {  	_ =	shalt  }
0x45: {  	_ =	shalt  }
0x46: {  	_ =	shalt  }
0x47: {  	_ =	shalt  }
0x48: {  	_ =	shalt  }
0x49: {  	_ =	shalt  }
0x4a: {  	_ =	shalt  }
0x4b: {  	_ =	shalt  }
0x4c: {  	_ =	shalt  }
0x4d: {  	_ =	shalt  }
0x4e: {  	_ =	shalt  }
0x4f: {  	_ =	shalt  }
0x50: {  	_ =	shalt  }
0x51: {  	_ =	shalt  }
0x52: {  	_ =	shalt  }
0x53: {  	_ =	shalt  }
0x54: {  	_ =	shalt  }
0x55: {  	_ =	shalt  }
0x56: {  	_ =	shalt  }
0x57: {  	_ =	shalt  }
0x58: {  	_ =	shalt  }
0x59: {  	_ =	shalt  }
0x5a: {  	_ =	shalt  }
0x5b: {  	_ =	shalt  }
0x5c: {  	_ =	shalt  }
0x5d: {  	_ =	shalt  }
0x5e: {  	_ =	shalt  }
0x5f: {  	_ =	shalt  }
0x60: {  	_ =	shalt  }
0x61: {  	_ =	shalt  }
0x62: {  	_ =	shalt  }
0x63: {  	_ =	shalt  }
0x64: {  	_ =	shalt  }
0x65: {  	_ =	shalt  }
0x66: {  	_ =	shalt  }
0x67: {  	_ =	shalt  }
0x68: {  	_ =	shalt  }
0x69: {  	_ =	shalt  }
0x6a: {  	_ =	shalt  }
0x6b: {  	_ =	shalt  }
0x6c: {  	_ =	shalt  }
0x6d: {  	_ =	shalt  }
0x6e: {  	_ =	shalt  }
0x6f: {  	_ =	shalt  }
0x70: {  	_ =	shalt  }
0x71: {  	_ =	shalt  }
0x72: {  	_ =	shalt  }
0x73: {  	_ =	shalt  }
0x74: {  	_ =	shalt  }
0x75: {  	_ =	shalt  }
0x76: {  	_ =	shalt  }
0x77: {  	_ =	shalt  }
0x78: {  	_ =	shalt  }
0x79: {  	_ =	shalt  }
0x7a: {  	_ =	shalt  }
0x7b: {  	_ =	shalt  }
0x7c: {  	_ =	shalt  }
0x7d: {  	_ =	shalt  }
0x7e: {  	_ =	shalt  }
0x7f: {  	_ =	shalt  }
0x80: {  	_ =	shalt  }
0x81: {  	_ =	shalt  }
0x82: {  	_ =	shalt  }
0x83: {  	_ =	shalt  }
0x84: {  	_ =	shalt  }
0x85: {  	_ =	shalt  }
0x86: {  	_ =	shalt  }
0x87: {  	_ =	shalt  }
.Lfunc_end0:
.L_simem_size_0:
called_computation_lowered:
.L_overlay_start_0:
0x88: {  	s2 =	sld [smem:$0x3FD9]  }
0x89: {  	s3 =	sld [smem:$0x3FFE];
	_ =	sdelay $0x1  }
0x8a: {  	s1 =	srdreg.scid  }
0x8b: {  	s0 =	sand.u32 $0x1, s1  }
0x8c: {  	s17 =	sshll.u32 s0, $0xA;
	s2 =	sadd.s32 s3, s2  }
0x8d: {  	s2 =	sadd.s32 s2, s17  }
0x8e: {  	[smem:$0x3FC6] =	sst s2  }
0x8f: {  	_ = 	snop  }
0x90: {  	s2 =	sld [smem:$0x3FC8]  }
0x91: {  	s18 =	sld [smem:$0x3FD0];
	(tm) =	ssettm $0x1  }
0x92: {  	s4 =	sld [smem:$0x3FFB];
	_ =	sdelay $0x3  }
0x93: {  	_ =	strace s4  }
0x94: {  	s4 =	sld [smem:$0x3FFC];
	_ =	sdelay $0x3  }
0x95: {  	_ =	strace s4  }
0x96: {  	s4 =	sld [smem:$0x3FFD];
	_ =	sdelay $0x3  }
0x97: {  	_ =	strace s4  }
0x98: {  	_ =	strace $0x8FFFFFFF  }
0x99: {  	s19 =	sld [smem:$0x3FDB];
	_ =	sdelay $0x1  }
0x9a: {  	s5 =	simm.s32 $_scs_section_size  }
0x9b: {  	s6 =	simm.s32 $_size__tile_overlayer_lowered;
	s7 =	simm.s32 $_tile_overlayer_lowered  }
0x9c: {  	s22 =	simm.s32 $0x1BFF;
	s21 =	sshll.u32 s7, $0x1;
	s4 =	sadd.s32 s5, s19  }
0x9d: {  	s8 =	simm.s32 $0x0;
	s20 =	sshll.u32 s6, $0x1;
	s6 =	sadd.s32 s21, s4  }
0x9e: {  	[timem:s8], [sflag:s22] =	dma.local [hbm:s6], s20  }
0x9f: {  	_ =	swait.ge [sflag:s22], s20  }
0xa0: {  	s5 =	ssub.s32 $0x0, s20;
	[sflag:s22] =	ssyncset.done $0x0  }
0xa1: {  	[sflag:s22] =	ssyncadd.s32 s5;
	_ =	sdelay $0x1  }
0xa2: {  	s23 =	simm.s32 $0x1B8B  }
0xa3: {  	_ =	swait.ge [sflag:s23], $0x1  }
0xa4: {  	[sflag:s23] =	ssyncset.done $0x0  }
0xa5: {  	s25 =	simm.s32 $0x1B8E;
	s24 =	sld [smem:$0x3FFE];
	[sflag:s23] =	ssyncadd.s32 $0xFFFFFFFF  }
0xa6: {  	s26 =	simm.s32 $execute0_lowered;
	[smem:$0x3FD2] =	sst s25  }
0xa7: {  	s6 =	sshll.u32 s26, $0x1;
	_ =	strace $0x80000046;
	[dreg:$0x1] =	wrdreg $0xFFFFFFFF  }
0xa8: {  	s28 =	simm.s32 $_size_execute0_lowered;
	s4 =	sadd.s32 s4, s6;
	[dreg:$0x0] =	wrdreg $0x0  }
0xa9: {  	s6 =	sshll.u32 s28, $0x1;
	[dreg:$0x2] =	wrdreg s4  }
0xaa: {  	[dreg:$0x3] =	wrdreg s6  }
0xab: {  	[dreg:$0x4] =	wrdreg $0xC0  }
0xac: {  	_ =	task [dreg:s8], $0x5FFFF  }
0xad: {  	[dreg:$0x1] =	wrdreg $0xFFFFFFFF  }
0xae: {  	[dreg:$0x0] =	wrdreg $0x60  }
0xaf: {  	[dreg:$0x2] =	wrdreg s24  }
0xb0: {  	[dreg:$0x3] =	wrdreg s2  }
0xb1: {  	[dreg:$0x4] =	wrdreg s18  }
0xb2: {  	[dreg:$0x5] =	wrdreg $0x9  }
0xb3: {  	_ =	task.clear_ibuf [dreg:s8], $0x6FFFF;
	_ =	strace $0x90000046  }
0xb4: {  	s29 =	simm.s32 $0x9;
	_ =	strace $0x80000048  }
0xb5: {  	_ =	swait.ge [sflag:s29], $0x1  }
0xb6: {  	[sflag:s29] =	ssyncadd.s32 $0xFFFFFFFF  }
0xb7: {  	_ =	strace $0x90000048  }
0xb8: {  	_ =	sfence  }
0xb9: {  	s30 =	sld [smem:$0x0];
	_ =	sdelay $0x2  }
0xba: {  	s31 =	sshll.u32 s1, $0xD;
	s1 =	sshrl.u32 s1, $0x2  }
0xbb: {  	s3 =	sand.u32 $0x4000, s31;
	s1 =	sadd.s32 s1, s30  }
0xbc: {  	s0 =	sor.u32 s3, s0;
	s1 =	sshll.u32 s1, $0x11  }
0xbd: {  	s0 =	sor.u32 s1, s0  }
0xbe: {  	s0 =	sadd.s32 $0x8F2B, s0  }
0xbf: {  	[sflag:s0] =	ssyncadd.remote.s32 $0x1  }
0xc0: {  	_ =	sfence.sel $0xFFFF  }
0xc1: {  	[dreg:$0x0] =	wrdreg $0xFFFFFFFF;
	(pc) =	sbr.abs _section_cstart, $3  }
0xc2: {  	[dreg:$0x1] =	wrdreg $0xFFFFFFFF  }
0xc3: {  	_ =	task.clear_ibuf [dreg:s8], $0x2FFFF;
	_ =	strace $0x9FFFFFFF  }
0xc4: {  	(tm) =	ssettm $0x7FFFFFFF  }
0xc5: {  	_ =	shalt  }
tec
execute0_lowered:
.L_overlay_start_1:
0x0: {  	(tag) =	ssettag $0x1  }
0x1: {  	s1 =	rddreg [dreg:$0x0]  }
0x2: {  	s3 =	srdreg.scid;
	s0 =	stileid.u32  }
0x3: {  	s13 =	simm.s32 $0x10080;
	s14 =	simm.s32 $0x10180;
	s15 =	simm.s32 $0x1  }
0x4: {  	s16 =	simm.s32 $0x2;
	s17 =	simm.s32 $0x10280;
	s18 =	simm.s32 $0x3  }
0x5: {  	s19 =	simm.s32 $0x5;
	s20 =	simm.s32 $0x15280;
	s21 =	simm.s32 $0x4  }
0x6: {  	s22 =	simm.s32 $0x0;
	s6 =	sand.u32 $0x1, s3;
	s4 =	sshll.u32 s0, $0x1  }
0x7: {  	s3 =	rddreg [dreg:$0x2];
	s5 =	sor.u32 s6, s4;
	s7 =	ssub.s32 $0x2, s6  }
0x8: {  	s4 =	simm.s32 $0x0;
	s5 =	smul.u32 $0x19000, s5;
	s29 =	sshrl.u32 s7, $0x1  }
.Ltmp0:
0x9: {  	s6 =	sadd.s32 $0x400, s1;
	s1 =	ssub.s32 s7, s29;
	(pc) =	sbr.rel .LBB2_1-.Ltmp0, $4  }
0xa: {  	v0 =	vlaneseq.u32;
	[smem:$0x7FF] =	sst s4;
	s8 =	sshrl.u32 s5, $0x3;
	s31 =	smax.u32 s1, $0x1  }
0xb: {  	v1 =	vmul.u32 $0x80, v0;
	_ =	strace $0x80000047;
	s30 =	sadd.s32 s6, s8;
	[dreg:$0x6] =	wrdreg s31  }
0xc: {  	s9 =	sor.u32 $0x140, s5;
	[dreg:$0x4] =	wrdreg s30;
	s0 =	sadd.s32 $0x14, s30  }
0xd: {  	[tilespmem:$0x1FFF0] =	vst v1;
	s10 =	sor.u32 $0xA0, s5;
	s11 =	sor.u32 $0x1E0, s5;
	[dreg:$0x5] =	wrdreg s0  }
.LBB2_16:
0xe: {  	_ =	swait.ge [sflag:s21], $0x5000  }
0xf: {  	[sflag:s21] =	ssyncset.done $0x0  }
0x10: {  	[sflag:s21] =	ssyncadd.s32 $0xFFFFB000  }
0x11: {  	_ =	swait.ge [sflag:s19], $0x5000  }
0x12: {  	s22 =	sadd.s32 $0x1, s22;
	s0 =	rddreg [dreg:$0x6]  }
0x13: {  	p0 =	sne.s32 s22, s0  }
.Ltmp1:
0x14: {  	_ = 	snop;
	(pc) =	sbr.rel @!p0 .LBB2_17-.Ltmp1, $3  }
0x15: {  	_ =	sdelay $0x1  }
0x16: {  	[sflag:s19] =	ssyncset.done $0x0  }
0x17: {  	[sflag:s19] =	ssyncadd.s32 $0xFFFFB000  }
.LBB2_1:
0x18: {  	s0 =	rddreg [dreg:$0x1]  }
0x19: {  	[tilespmem:s4], [sflag:$0x1] =	stream.linear.gather [hbm4b:s0+s4], $0x10080, $0x38;
	[tilespmem:$0x1A280] =	vst v63  }
0x1a: {  	s30 =	rddreg [dreg:$0x4]  }
0x1b: {  	[tilespmem:s13], [sflag:$0x2] =	stream.linear.gather [hbm4b:s30+s4], $0xA0, $0x38;
	[tilespmem:$0x1A280] =	vst v63  }
0x1c: {  	s31 =	rddreg [dreg:$0x5]  }
0x1d: {  	[tilespmem:s14], [sflag:$0x3] =	stream.linear.gather [hbm4b:s31+s4], $0xA0, $0x38;
	[tilespmem:$0x1A280] =	vst v63  }
0x1e: {  	_ =	swait.ge [sflag:s15], $0x10080  }
0x1f: {  	[sflag:s15] =	ssyncset.done $0x0  }
0x20: {  	s23 =	simm.s32 $0x0;
	[sflag:s15] =	ssyncadd.s32 $0xFFFEFF80  }
.LBB2_2:
0x21: {  	_ =	swait.ge [sflag:s16], $0xA0  }
0x22: {  	p0 =	seq.s32 s23, $0x0;
	[sflag:s16] =	ssyncset.done $0x0  }
0x23: {  	s1 =	simm.s32 @!p0 $0x4;
	[sflag:s16] =	ssyncadd.s32 $0xFFFFFF60  }
0x24: {  	_ =	swait.ge @!p0 [sflag:s1], $0x5000  }
0x25: {  	[sflag:s1] =	ssyncset.done @!p0 $0x0  }
0x26: {  	s24 =	simm.s32 $0x0;
	s25 =	simm.s32 $0x0;
	[sflag:s1] =	ssyncadd.s32 @!p0 $0xFFFFB000  }
.LBB2_3:
0x27: {  	s1 =	sshll.u32 s25, $0x4;
	s28 =	simm.s32 $0x12  }
0x28: {  	s26 =	simm.s32 $0x11;
	s29 =	simm.s32 $0x15;
	s30 =	simm.s32 $0x16;
	v3 =	vmov s1;
	v6 =	vadd.s32 s28, v0  }
0x29: {  	s31 =	simm.s32 $0x17;
	s0 =	simm.s32 $0x19;
	s2 =	simm.s32 $0xD;
	v7 =	vadd.s32 s26, v0;
	v10 =	vadd.s32 s29, v0;
	v12 =	vadd.s32 s30, v0  }
0x2a: {  	s7 =	simm.s32 $0x13;
	s8 =	simm.s32 $0x1A;
	s12 =	simm.s32 $0x1B;
	v8 =	vadd.s32 s31, v0;
	v9 =	vadd.s32 s0, v0;
	v4 =	vadd.s32 s2, v0  }
0x2b: {  	v2 =	vld [tilespmem:s1+$0x10080];
	s28 =	simm.s32 $0xF;
	v14 =	vadd.s32 s7, v0;
	v11 =	vadd.s32 s8, v0;
	v15 =	vadd.s32 s12, v0  }
0x2c: {  	v5 =	vshll.u32 v3, $0x7;
	v17 =	vand.u32 $0x7F, v6;
	v6 =	vadd.s32 s28, v0  }
0x2d: {  	s29 =	simm.s32 $0x18;
	s30 =	simm.s32 $0xE;
	v18 =	vand.u32 $0x7F, v8;
	v9 =	vand.u32 $0x7F, v9;
	v23 =	vand.u32 $0x7F, v11  }
0x2e: {  	s31 =	simm.s32 $0x1D;
	s0 =	simm.s32 $0x1E;
	v15 =	vand.u32 $0x7F, v15;
	v20 =	vadd.s32 s29, v0;
	v11 =	vadd.s32 s30, v0  }
0x2f: {  	s2 =	simm.s32 $0x1F;
	s7 =	simm.s32 $0x1C;
	v21 =	vadd.s32 s31, v0;
	v24 =	vadd.s32 s0, v0;
	v7 =	vand.u32 $0x7F, v7  }
0x30: {  	v28 =	vadd.s32 s2, v0;
	v30 =	vadd.s32 s7, v0;
	v2 =	vadd.s32 $0x100, v2  }
0x31: {  	s8 =	simm.s32 $0x1;
	v33 =	vand.u32 $0x7F, v14;
	v10 =	vand.u32 $0x7F, v10;
	vm0 =	vgt.s32 v2, $0x0  }
0x32: {  	v1 =	vld [tilespmem:$0x1FFF0];
	s12 =	simm.s32 $0x2;
	v38 =	vand.u32 $0x7F, v12;
	v39 =	vadd.s32 s8, v0;
	v2 =	vnsel vm0, $0x0, v2  }
0x33: {  	v49 =	vadd.s32 s12, v0;
	v24 =	vand.u32 $0x7F, v24;
	v2 =	vmin.u32 v2, $0x200  }
0x34: {  	s30 =	simm.s32 $0x5;
	s31 =	simm.s32 $0x7;
	v28 =	vand.u32 $0x7F, v28;
	v14 =	vand.u32 $0x7F, v21;
	v3 =	vshll.u32 v2, $0x7  }
0x35: {  	s2 =	simm.s32 $0x9;
	s7 =	simm.s32 $0x14;
	v51 =	vadd.s32 s30, v0;
	v55 =	vadd.s32 s31, v0;
	v16 =	vor.u32 v3, v15  }
0x36: {  	s8 =	simm.s32 $0x4;
	v54 =	vadd.s32 s2, v0;
	v56 =	vadd.s32 s7, v0;
	v29 =	vor.u32 v3, v24  }
0x37: {  	s12 =	simm.s32 $0x6;
	v63 =	vadd.s32 s8, v0;
	v2 =	vor.u32 v1, v5;
	v32 =	vor.u32 v3, v7  }
0x38: {  	v62 =	vadd.s32 s12, v0;
	s30 =	simm.s32 $0xC;
	v31 =	vor.u32 v3, v28;
	v1 =	vor.u32 v2, v17  }
0x39: {  	v42 =	vadd.s32 s30, v0;
	v25 =	vor.u32 v0, v3;
	v21 =	vor.u32 v3, v33;
	[tilespmem:$0x1FFC0] =	vst v1  }
0x3a: {  	v26 =	vor.u32 v0, v2;
	v19 =	vor.u32 v3, v18;
	v37 =	vor.u32 v3, v10;
	v35 =	vld.idx.msk [tilespmem:v16+s4+$0x0], $0xffff  }
0x3b: {  	v5 =	vor.u32 v3, v9;
	v8 =	vor.u32 v2, v4;
	v36 =	vor.u32 v3, v14;
	v44 =	vld.idx.msk [tilespmem:v29+s4+$0x0], $0xffff  }
0x3c: {  	v22 =	vor.u32 v3, v23;
	v27 =	vor.u32 v3, v11;
	v40 =	vor.u32 v3, v38;
	v43 =	vld.idx.msk [tilespmem:v32+s4+$0x0], $0xffff  }
0x3d: {  	s0 =	simm.s32 $0x8;
	v11 =	vor.u32 v2, v11;
	v34 =	vor.u32 v2, v7;
	v14 =	vor.u32 v2, v14;
	v31 =	vld.idx.msk [tilespmem:v31+s4+$0x0], $0xffff  }
0x3e: {  	v48 =	vor.u32 v2, v10;
	v10 =	vadd.s32 s0, v0;
	v50 =	vor.u32 v2, v15;
	v32 =	vld.idx.msk [tilespmem:v21+s4+$0x0], $0xffff  }
0x3f: {  	v60 =	vor.u32 v2, v24;
	v13 =	vor.u32 s24, v25;
	v52 =	vor.u32 v3, v10;
	v37 =	vld.idx.msk [tilespmem:v37+s4+$0x0], $0xffff  }
0x40: {  	v16 =	vand.u32 $0x7F, v30;
	v30 =	vor.u32 v2, v33;
	v21 =	vor.u32 v2, v10;
	v10 =	vld.idx.msk [tilespmem:v36+s4+$0x0], $0xffff  }
0x41: {  	v28 =	vor.u32 v2, v28;
	v57 =	vor.u32 v3, v51;
	v53 =	vor.u32 v2, v38;
	v47 =	vld.idx.msk [tilespmem:v40+s4+$0x0], $0xffff  }
0x42: {  	s29 =	simm.s32 $0x3;
	v45 =	vor.u32 v3, v63;
	v38 =	vor.u32 v2, v39;
	v36 =	vor.u32 v3, v54;
	v33 =	vld.idx.msk [tilespmem:v19+s4+$0x0], $0xffff  }
0x43: {  	s1 =	simm.s32 $0x10;
	v24 =	vor.u32 v3, v49;
	v39 =	vor.u32 v3, v39;
	v29 =	vadd.s32 s29, v0;
	v46 =	vld.idx.msk [tilespmem:v27+s4+$0x0], $0xffff  }
0x44: {  	v12 =	vor.u32 s1, v26;
	v1 =	vor.u32 v3, v62;
	s29 =	simm.s32 $0xB;
	v15 =	vor.u32 v2, v29;
	v41 =	vld.idx.msk [tilespmem:v13+s4+$0x0], $0xffff  }
0x45: {  	v58 =	vadd.s32 s29, v0;
	v19 =	vor.u32 v3, v29;
	v13 =	vor.u32 v2, v55;
	[tilespmem:v30+s17+$0x0] =	vst.idx.msk $0xffff, v32  }
0x46: {  	v40 =	vld.idx.msk [tilespmem:v52+s4+$0x0], $0xffff;
	v52 =	vor.u32 v2, v51;
	v59 =	vor.u32 v3, v58;
	[tilespmem:v50+s17+$0x0] =	vst.idx.msk $0xffff, v35  }
0x47: {  	s31 =	simm.s32 $0xA;
	v61 =	vor.u32 s24, v26;
	v51 =	vor.u32 v3, v16;
	v30 =	vld.idx.msk [tilespmem:v36+s4+$0x0], $0xffff;
	v32 =	vor.u32 v2, v54;
	[tilespmem:$0x1FFD0] =	vst v26  }
0x48: {  	v36 =	vand.u32 $0x7F, v56;
	v56 =	vor.u32 v2, v23;
	[tilespmem:v34+s17+$0x0] =	vst.idx.msk $0xffff, v43;
	v29 =	vld.idx.msk [tilespmem:v5+s4+$0x0], $0xffff;
	v5 =	vadd.s32 s31, v0  }
0x49: {  	[tilespmem:v28+s17+$0x0] =	vst.idx.msk $0xffff, v31;
	v50 =	vld.idx.msk [tilespmem:v57+s4+$0x0], $0xffff;
	v43 =	vor.u32 v2, v42;
	v57 =	vor.u32 v2, v18  }
0x4a: {  	[tilespmem:v48+s17+$0x0] =	vst.idx.msk $0xffff, v37;
	v31 =	vor.u32 v2, v58;
	v58 =	vor.u32 v3, v17;
	v48 =	vld.idx.msk [tilespmem:v19+s4+$0x0], $0xffff  }
0x4b: {  	v17 =	vand.u32 $0x7F, v20;
	v19 =	vor.u32 v2, v49;
	v37 =	vld.idx.msk [tilespmem:v59+s4+$0x0], $0xffff;
	v28 =	vor.u32 v3, v4  }
0x4c: {  	v59 =	vor.u32 v3, v6;
	[tilespmem:v60+s17+$0x0] =	vst.idx.msk $0xffff, v44;
	v35 =	vld.idx.msk [tilespmem:v22+s4+$0x0], $0xffff;
	v34 =	vor.u32 v2, v62  }
0x4d: {  	v60 =	vor.u32 v3, v36;
	v54 =	vld.idx.msk [tilespmem:v39+s4+$0x0], $0xffff;
	v62 =	vor.u32 s1, v25;
	v36 =	vor.u32 v2, v36  }
0x4e: {  	v18 =	vor.u32 v2, v63;
	v44 =	vor.u32 v3, v55;
	v23 =	vor.u32 v3, v17;
	[tilespmem:$0x1FFE0] =	vst v25  }
0x4f: {  	s26 =	simm.s32 $0x20;
	v17 =	vor.u32 v2, v17;
	v27 =	vor.u32 v2, v5;
	v39 =	vor.u32 v3, v5;
	v49 =	vld.idx.msk [tilespmem:v1+s4+$0x0], $0xffff  }
.LBB2_4:
0x50: {  	v7 =	vmov v8;
	[tilespmem:v15+s17+$0x0] =	vst.idx.msk $0xffff, v48  }
0x51: {  	v63 =	vor.u32 v2, v6;
	v6 =	vmov v11;
	[tilespmem:$0x1FFA0] =	vst v7  }
0x52: {  	v5 =	vmov v43;
	[tilespmem:$0x1FF80] =	vst v6  }
0x53: {  	v1 =	vor.u32 v3, v42;
	v42 =	vld.idx.msk [tilespmem:v23+s4+$0x0], $0xffff;
	[tilespmem:$0x1FF90] =	vst v5  }
0x54: {  	v43 =	vld.idx.msk [tilespmem:v45+s4+$0x0], $0xffff;
	[tilespmem:v61+s17+$0x0] =	vst.idx.msk $0xffff, v41  }
0x55: {  	s1 =	sadd.s32 $0x11, s26;
	s30 =	sadd.s32 $0x12, s26;
	v4 =	vor.u32 v2, v9;
	v23 =	vmov v46;
	s29 =	smov.u32 s26;
	v15 =	vld.idx.msk [tilespmem:v60+s4+$0x0], $0xffff;
	[tilespmem:v53+s17+$0x0] =	vst.idx.msk $0xffff, v47  }
0x56: {  	s7 =	sadd.s32 $0x15, s26;
	s8 =	sadd.s32 $0x16, s26;
	v46 =	vor.u32 v2, v16;
	s12 =	sadd.s32 $0x17, s26;
	v24 =	vld.idx.msk [tilespmem:v24+s4+$0x0], $0xffff;
	v11 =	vadd.s32 s1, v0;
	v6 =	vadd.s32 s30, v0;
	[tilespmem:v56+s17+$0x0] =	vst.idx.msk $0xffff, v35  }
0x57: {  	v55 =	vmovc v14;
	s2 =	sadd.s32 $0x19, s26;
	v26 =	vld [tilespmem:$0x1FFE0];
	v14 =	vadd.s32 s7, v0;
	v16 =	vadd.s32 s8, v0;
	v8 =	vadd.s32 s12, v0;
	s1 =	sadd.s32 $0x1F, s29;
	[tilespmem:v57+s17+$0x0] =	vst.idx.msk $0xffff, v33  }
0x58: {  	s0 =	sadd.s32 $0xF, s26;
	v5 =	vld.idx.msk [tilespmem:v28+s4+$0x0], $0xffff;
	v9 =	vadd.s32 s2, v0;
	v28 =	vand.u32 $0x7F, v6;
	v7 =	vadd.s32 s1, v0;
	[tilespmem:v21+s17+$0x0] =	vst.idx.msk $0xffff, v40  }
0x59: {  	v20 =	vld [tilespmem:$0x1FFC0];
	s2 =	sadd.s32 $0xD, s29;
	v6 =	vadd.s32 s0, v0;
	v9 =	vand.u32 $0x7F, v9;
	s1 =	sadd.s32 $0x6, s29;
	v7 =	vand.u32 $0x7F, v7;
	[tilespmem:v38+s17+$0x0] =	vst.idx.msk $0xffff, v54  }
0x5a: {  	s31 =	sadd.s32 $0x13, s26;
	s12 =	sadd.s32 $0x1B, s29;
	v22 =	vadd.s32 s1, v0;
	v41 =	vld.idx.msk [tilespmem:v39+s4+$0x0], $0xffff;
	v39 =	vand.u32 $0x7F, v8;
	v35 =	vadd.s32 s2, v0;
	[tilespmem:v52+s17+$0x0] =	vst.idx.msk $0xffff, v50  }
0x5b: {  	s8 =	sadd.s32 $0xE, s26;
	s0 =	sadd.s32 $0x18, s26;
	v53 =	vld.idx.msk [tilespmem:v44+s4+$0x0], $0xffff;
	v61 =	vadd.s32 s31, v0;
	v56 =	vor.u32 v3, v9;
	v33 =	vadd.s32 s12, v0;
	[tilespmem:v32+s17+$0x0] =	vst.idx.msk $0xffff, v30  }
0x5c: {  	v54 =	vadd.s32 s0, v0;
	v40 =	vld.idx.msk [tilespmem:v58+s4+$0x0], $0xffff;
	v58 =	vadd.s32 s8, v0;
	v52 =	vand.u32 $0x7F, v11;
	[tilespmem:v31+s17+$0x0] =	vst.idx.msk $0xffff, v37  }
0x5d: {  	v21 =	vld.idx.msk [tilespmem:v62+s4+$0x0], $0xffff;
	v37 =	vand.u32 $0x7F, v16;
	[tilespmem:v34+s17+$0x0] =	vst.idx.msk $0xffff, v49;
	v25 =	vor.u32 v3, v22;
	v47 =	vor.u32 s29, v26  }
0x5e: {  	s7 =	sadd.s32 $0x1A, s29;
	v45 =	vor.u32 v3, v39;
	v44 =	vld.idx.msk [tilespmem:v1+s4+$0x0], $0xffff;
	v8 =	vor.u32 v2, v35;
	[tilespmem:v4+s17+$0x0] =	vst.idx.msk $0xffff, v29  }
0x5f: {  	v1 =	vadd.s32 s7, v0;
	v50 =	vor.u32 v3, v58;
	v11 =	vor.u32 v2, v58;
	[tilespmem:v36+s17+$0x0] =	vst.idx.msk $0xffff, v15  }
0x60: {  	s31 =	sadd.s32 $0x1C, s29;
	v30 =	vld.idx.msk [tilespmem:v59+s4+$0x0], $0xffff;
	v4 =	vor.u32 v3, v52;
	[tilespmem:v19+s17+$0x0] =	vst.idx.msk $0xffff, v24;
	v57 =	vand.u32 $0x7F, v1;
	v1 =	vand.u32 $0x7F, v33  }
0x61: {  	s12 =	sadd.s32 $0x1E, s29;
	v32 =	vadd.s32 s31, v0;
	v58 =	vor.u32 v3, v7;
	[tilespmem:v17+s17+$0x0] =	vst.idx.msk $0xffff, v42;
	v33 =	vor.u32 v3, v1  }
0x62: {  	v38 =	vld.idx.msk [tilespmem:v51+s4+$0x0], $0xffff;
	s7 =	sadd.s32 $0x1D, s29;
	v29 =	vor.u32 v2, v52;
	v7 =	vor.u32 v2, v7;
	[tilespmem:$0x1FFB0] =	vst v5;
	v5 =	vadd.s32 s12, v0  }
0x63: {  	[tilespmem:v18+s17+$0x0] =	vst.idx.msk $0xffff, v43;
	v18 =	vld [tilespmem:$0x1FF80];
	v62 =	vadd.s32 s7, v0;
	v16 =	vand.u32 $0x7F, v32;
	v5 =	vand.u32 $0x7F, v5  }
0x64: {  	s8 =	sadd.s32 $0x3, s29;
	s7 =	sadd.s32 $0x2, s29;
	v51 =	vor.u32 v3, v57;
	v48 =	vor.u32 v3, v5;
	[tilespmem:v12+s17+$0x0] =	vst.idx.msk $0xffff, v21;
	v21 =	vand.u32 $0x7F, v61;
	v61 =	vld [tilespmem:$0x1FFD0]  }
0x65: {  	v32 =	vadd.s32 s8, v0;
	v34 =	vadd.s32 s7, v0;
	v1 =	vor.u32 v2, v1;
	[tilespmem:v20+s17+$0x0] =	vst.idx.msk $0xffff, v40;
	v4 =	vld.idx.msk [tilespmem:v4+s4+$0x0], $0xffff  }
0x66: {  	v15 =	vor.u32 v2, v32;
	[tilespmem:v63+s17+$0x0] =	vst.idx.msk $0xffff, v30;
	v52 =	vld.idx.msk [tilespmem:v33+s4+$0x0], $0xffff;
	v33 =	vor.u32 v3, v21  }
0x67: {  	s2 =	sadd.s32 $0x1, s29;
	v5 =	vor.u32 v2, v5;
	v24 =	vor.u32 v3, v34;
	[tilespmem:v27+s17+$0x0] =	vst.idx.msk $0xffff, v41;
	v41 =	vld.idx.msk [tilespmem:v47+s4+$0x0], $0xffff  }
0x68: {  	v60 =	vadd.s32 s2, v0;
	v40 =	vand.u32 $0x7F, v14;
	v30 =	vor.u32 v3, v37;
	[tilespmem:v46+s17+$0x0] =	vst.idx.msk $0xffff, v38;
	v46 =	vld.idx.msk [tilespmem:v50+s4+$0x0], $0xffff  }
0x69: {  	s31 =	sadd.s32 $0x7, s29;
	s12 =	sadd.s32 $0x5, s29;
	v12 =	vand.u32 $0x7F, v62;
	v20 =	vor.u32 v2, v28;
	v31 =	vor.u32 v3, v40;
	v62 =	vld.idx.msk [tilespmem:v48+s4+$0x0], $0xffff  }
0x6a: {  	s30 =	sadd.s32 $0x14, s26;
	v36 =	vadd.s32 s12, v0;
	v63 =	vadd.s32 s31, v0;
	[tilespmem:v13+s17+$0x0] =	vst.idx.msk $0xffff, v53;
	v59 =	vor.u32 v3, v12;
	v48 =	vld.idx.msk [tilespmem:v58+s4+$0x0], $0xffff  }
0x6b: {  	[tilespmem:$0x1FFC0] =	vst v20;
	v49 =	vor.u32 v2, v40;
	v40 =	vor.u32 v2, v21;
	v20 =	vadd.s32 s30, v0;
	s30 =	sadd.s32 $0xB, s29;
	v27 =	vld.idx.msk [tilespmem:v33+s4+$0x0], $0xffff  }
0x6c: {  	s31 =	sadd.s32 $0xC, s29;
	v53 =	vor.u32 v2, v37;
	v38 =	vor.u32 v2, v60;
	v17 =	vadd.s32 s30, v0;
	[tilespmem:v18+s17+$0x0] =	vst.idx.msk $0xffff, v23;
	v18 =	vld [tilespmem:$0x1FF90]  }
0x6d: {  	s8 =	sadd.s32 $0x9, s29;
	s7 =	sadd.s32 $0x8, s29;
	v14 =	vor.u32 v2, v12;
	v42 =	vadd.s32 s31, v0;
	v37 =	vor.u32 v3, v17;
	v47 =	vld.idx.msk [tilespmem:v30+s4+$0x0], $0xffff  }
0x6e: {  	[tilespmem:v55+s17+$0x0] =	vst.idx.msk $0xffff, v10;
	v43 =	vor.u32 v2, v42;
	v21 =	vadd.s32 s7, v0;
	v58 =	vadd.s32 s8, v0;
	v31 =	vld.idx.msk [tilespmem:v31+s4+$0x0], $0xffff  }
0x6f: {  	v13 =	vor.u32 v3, v21;
	v19 =	vor.u32 v3, v58;
	v10 =	vld.idx.msk [tilespmem:v59+s4+$0x0], $0xffff;
	[tilespmem:v29+s17+$0x0] =	vst.idx.msk $0xffff, v4  }
0x70: {  	s28 =	sadd.s32 $0x10, s26;
	s2 =	sadd.s32 $0x4, s29;
	v21 =	vor.u32 v2, v21;
	v29 =	vld.idx.msk [tilespmem:v56+s4+$0x0], $0xffff;
	[tilespmem:v40+s17+$0x0] =	vst.idx.msk $0xffff, v27;
	v27 =	vor.u32 v3, v32  }
0x71: {  	v55 =	vadd.s32 s2, v0;
	v12 =	vor.u32 s28, v61;
	v59 =	vor.u32 v3, v36;
	v33 =	vld.idx.msk [tilespmem:v45+s4+$0x0], $0xffff;
	[tilespmem:v1+s17+$0x0] =	vst.idx.msk $0xffff, v52  }
0x72: {  	v61 =	vor.u32 s29, v61;
	v1 =	vand.u32 $0x7F, v20;
	v52 =	vor.u32 v2, v36;
	v37 =	vld.idx.msk [tilespmem:v37+s4+$0x0], $0xffff;
	[tilespmem:v7+s17+$0x0] =	vst.idx.msk $0xffff, v48  }
0x73: {  	s12 =	sadd.s32 $0xA, s29;
	v7 =	vor.u32 v3, v60;
	v60 =	vor.u32 v3, v1;
	v36 =	vor.u32 v2, v1;
	v1 =	vld [tilespmem:$0x1FFA0]  }
0x74: {  	v4 =	vadd.s32 s12, v0;
	v56 =	vor.u32 v2, v57;
	v57 =	vor.u32 v2, v39;
	v30 =	vld.idx.msk [tilespmem:v19+s4+$0x0], $0xffff  }
0x75: {  	v39 =	vor.u32 v3, v4;
	v45 =	vor.u32 v3, v55;
	[tilespmem:v5+s17+$0x0] =	vst.idx.msk $0xffff, v62;
	v48 =	vld.idx.msk [tilespmem:v27+s4+$0x0], $0xffff  }
0x76: {  	p1 =	slt.u32 s26, $0x60;
	v19 =	vor.u32 v2, v34;
	v34 =	vor.u32 v2, v22;
	v27 =	vor.u32 v2, v4;
	v4 =	vld [tilespmem:$0x1FFB0]  }
.Ltmp2:
0x77: {  	v62 =	vor.u32 s28, v26;
	v50 =	vld.idx.msk [tilespmem:v59+s4+$0x0], $0xffff;
	[tilespmem:v49+s17+$0x0] =	vst.idx.msk $0xffff, v31;
	v31 =	vor.u32 v2, v17;
	v17 =	vand.u32 $0x7F, v54;
	(pc) =	sbr.rel @p1 .LBB2_4-.Ltmp2, $4  }
0x78: {  	v59 =	vor.u32 v3, v6;
	v49 =	vld.idx.msk [tilespmem:v25+s4+$0x0], $0xffff;
	[tilespmem:v18+s17+$0x0] =	vst.idx.msk $0xffff, v44;
	v23 =	vor.u32 v3, v17  }
0x79: {  	v17 =	vor.u32 v2, v17;
	v18 =	vor.u32 v2, v55;
	v44 =	vor.u32 v3, v63;
	v40 =	vld.idx.msk [tilespmem:v13+s4+$0x0], $0xffff  }
0x7a: {  	v32 =	vor.u32 v2, v58;
	v58 =	vor.u32 v3, v28;
	v28 =	vor.u32 v3, v35;
	v35 =	vld.idx.msk [tilespmem:v51+s4+$0x0], $0xffff  }
0x7b: {  	s26 =	sadd.s32 $0x20, s26;
	v13 =	vor.u32 v2, v63;
	v51 =	vor.u32 v3, v16;
	v54 =	vld.idx.msk [tilespmem:v7+s4+$0x0], $0xffff;
	[tilespmem:v1+s17+$0x0] =	vst.idx.msk $0xffff, v4  }
0x7c: {  	_ =	sdelay $0x3  }
0x7d: {  	[tilespmem:v61+s17+$0x0] =	vst.idx.msk $0xffff, v41  }
0x7e: {  	[tilespmem:v53+s17+$0x0] =	vst.idx.msk $0xffff, v47  }
0x7f: {  	[tilespmem:v57+s17+$0x0] =	vst.idx.msk $0xffff, v33  }
0x80: {  	[tilespmem:v52+s17+$0x0] =	vst.idx.msk $0xffff, v50  }
0x81: {  	v1 =	vor.u32 v2, v9;
	[tilespmem:v32+s17+$0x0] =	vst.idx.msk $0xffff, v30  }
0x82: {  	v4 =	vld.idx.msk [tilespmem:v62+s4+$0x0], $0xffff;
	[tilespmem:v15+s17+$0x0] =	vst.idx.msk $0xffff, v48  }
0x83: {  	[tilespmem:v21+s17+$0x0] =	vst.idx.msk $0xffff, v40  }
0x84: {  	v6 =	vor.u32 v2, v6;
	v7 =	vld.idx.msk [tilespmem:v59+s4+$0x0], $0xffff;
	[tilespmem:v56+s17+$0x0] =	vst.idx.msk $0xffff, v35  }
0x85: {  	v5 =	vld.idx.msk [tilespmem:v58+s4+$0x0], $0xffff;
	[tilespmem:v38+s17+$0x0] =	vst.idx.msk $0xffff, v54  }
0x86: {  	v57 =	vld.idx.msk [tilespmem:v39+s4+$0x0], $0xffff;
	[tilespmem:v1+s17+$0x0] =	vst.idx.msk $0xffff, v29  }
0x87: {  	v59 =	vld.idx.msk [tilespmem:v44+s4+$0x0], $0xffff;
	[tilespmem:v12+s17+$0x0] =	vst.idx.msk $0xffff, v4  }
0x88: {  	v58 =	vld [tilespmem:$0x1FFC0];
	[tilespmem:v31+s17+$0x0] =	vst.idx.msk $0xffff, v37  }
0x89: {  	v61 =	vld.idx.msk [tilespmem:v23+s4+$0x0], $0xffff;
	[tilespmem:v6+s17+$0x0] =	vst.idx.msk $0xffff, v7  }
0x8a: {  	v3 =	vor.u32 v3, v42;
	v62 =	vld.idx.msk [tilespmem:v45+s4+$0x0], $0xffff;
	[tilespmem:v34+s17+$0x0] =	vst.idx.msk $0xffff, v49  }
0x8b: {  	[tilespmem:v27+s17+$0x0] =	vst.idx.msk $0xffff, v57  }
0x8c: {  	v1 =	vld.idx.msk [tilespmem:v60+s4+$0x0], $0xffff;
	[tilespmem:v13+s17+$0x0] =	vst.idx.msk $0xffff, v59  }
0x8d: {  	v63 =	vld.idx.msk [tilespmem:v28+s4+$0x0], $0xffff;
	[tilespmem:v14+s17+$0x0] =	vst.idx.msk $0xffff, v10  }
0x8e: {  	v60 =	vld.idx.msk [tilespmem:v24+s4+$0x0], $0xffff;
	[tilespmem:v17+s17+$0x0] =	vst.idx.msk $0xffff, v61  }
0x8f: {  	v3 =	vld.idx.msk [tilespmem:v3+s4+$0x0], $0xffff;
	[tilespmem:v18+s17+$0x0] =	vst.idx.msk $0xffff, v62  }
0x90: {  	s25 =	sadd.s32 $0x1, s25;
	[tilespmem:v11+s17+$0x0] =	vst.idx.msk $0xffff, v46  }
0x91: {  	p1 =	sne.s32 s25, $0xA;
	[tilespmem:v36+s17+$0x0] =	vst.idx.msk $0xffff, v1;
	v1 =	vor.u32 v2, v16;
	v2 =	vld.idx.msk [tilespmem:v51+s4+$0x0], $0xffff  }
.Ltmp3:
0x92: {  	[tilespmem:v8+s17+$0x0] =	vst.idx.msk $0xffff, v63;
	(pc) =	sbr.rel @p1 .LBB2_3-.Ltmp3, $4  }
0x93: {  	[tilespmem:v19+s17+$0x0] =	vst.idx.msk $0xffff, v60  }
0x94: {  	[tilespmem:v43+s17+$0x0] =	vst.idx.msk $0xffff, v3  }
0x95: {  	[tilespmem:v58+s17+$0x0] =	vst.idx.msk $0xffff, v5  }
0x96: {  	[tilespmem:v1+s17+$0x0] =	vst.idx.msk $0xffff, v2  }
0x97: {  	s24 =	smul.u32 $0x140, s23;
	p1 =	sne.s32 s23, $0x13F  }
.Ltmp4:
0x98: {  	_ = 	snop;
	(pc) =	sbr.rel @p1 .LBB2_8-.Ltmp4, $4  }
0x99: {  	s0 =	sadd.s32 s5, s24  }
0x9a: {  	s0 =	sshll.u32 s0, $0x4  }
0x9b: {  	s0 =	sadd.s32 s3, s0  }
0x9c: {  	[hbm4b:s0+s4] =	stream.linear.scatter [tilespmem:s17], [sflag:$0x4], $0x5000, $0x38;
	[tilespmem:$0x1A280] =	vst v63  }
.Ltmp5:
0x9d: {  	(pc) =	sbr.rel .LBB2_9-.Ltmp5, $4  }
0x9e: {  	_ = 	snop  }
0x9f: {  	_ =	swait.ge [sflag:s18], $0xA0  }
0xa0: {  	[sflag:s18] =	ssyncset.done $0x0  }
0xa1: {  	[sflag:s18] =	ssyncadd.s32 $0xFFFFFF60  }
.LBB2_8:
0xa2: {  	s0 =	sadd.s32 s24, s9  }
0xa3: {  	s0 =	sshrl.u32 s0, $0x3  }
.Ltmp6:
0xa4: {  	s0 =	sadd.s32 s6, s0;
	(pc) =	sbr.rel @p0 .LBB2_10-.Ltmp6, $4  }
0xa5: {  	[tilespmem:s13], [sflag:$0x2] =	stream.linear.gather [hbm4b:s0+s4], $0xA0, $0x38;
	[tilespmem:$0x1A280] =	vst v63  }
0xa6: {  	_ =	swait.ge [sflag:s18], $0xA0  }
0xa7: {  	[sflag:s18] =	ssyncset.done $0x0  }
0xa8: {  	[sflag:s18] =	ssyncadd.s32 $0xFFFFFF60  }
.LBB2_9:
0xa9: {  	_ =	swait.ge [sflag:s19], $0x5000  }
0xaa: {  	[sflag:s19] =	ssyncset.done $0x0  }
0xab: {  	[sflag:s19] =	ssyncadd.s32 $0xFFFFB000  }
.LBB2_10:
0xac: {  	s25 =	sadd.s32 $0x1, s23;
	s26 =	simm.s32 $0x0;
	s28 =	simm.s32 $0x0  }
.LBB2_11:
0xad: {  	s0 =	sshll.u32 s28, $0x4;
	s1 =	simm.s32 $0x11  }
0xae: {  	s7 =	simm.s32 $0x16;
	s2 =	simm.s32 $0xF;
	s8 =	simm.s32 $0x17;
	v2 =	vmov s0;
	v7 =	vadd.s32 s1, v0  }
0xaf: {  	s12 =	simm.s32 $0x19;
	s30 =	simm.s32 $0xD;
	v1 =	vld [tilespmem:s0+$0x10180];
	v10 =	vadd.s32 s7, v0;
	v6 =	vadd.s32 s2, v0;
	v8 =	vadd.s32 s8, v0  }
0xb0: {  	v9 =	vadd.s32 s12, v0;
	v4 =	vadd.s32 s30, v0;
	s2 =	simm.s32 $0x1A;
	v2 =	vshll.u32 v2, $0x7  }
0xb1: {  	s7 =	simm.s32 $0x1B;
	s8 =	simm.s32 $0x18;
	s30 =	simm.s32 $0x1D;
	v18 =	vand.u32 $0x7F, v8;
	v9 =	vand.u32 $0x7F, v9;
	v11 =	vadd.s32 s2, v0  }
0xb2: {  	v14 =	vadd.s32 s7, v0;
	v59 =	vadd.s32 s8, v0;
	v16 =	vadd.s32 s30, v0  }
0xb3: {  	s12 =	simm.s32 $0xE;
	v7 =	vand.u32 $0x7F, v7;
	v38 =	vand.u32 $0x7F, v10;
	v23 =	vand.u32 $0x7F, v11  }
0xb4: {  	s7 =	simm.s32 $0x1F;
	s8 =	simm.s32 $0x1C;
	v15 =	vand.u32 $0x7F, v14;
	v11 =	vadd.s32 s12, v0;
	v1 =	vadd.s32 $0x100, v1  }
0xb5: {  	s30 =	simm.s32 $0x2;
	v27 =	vadd.s32 s7, v0;
	v29 =	vadd.s32 s8, v0;
	vm0 =	vgt.s32 v1, $0x0  }
0xb6: {  	s12 =	simm.s32 $0x1;
	v49 =	vadd.s32 s30, v0;
	s7 =	simm.s32 $0x5;
	v27 =	vand.u32 $0x7F, v27;
	v1 =	vnsel vm0, $0x0, v1  }
0xb7: {  	s8 =	simm.s32 $0x7;
	s30 =	simm.s32 $0x9;
	v39 =	vadd.s32 s12, v0;
	v43 =	vadd.s32 s7, v0;
	v1 =	vmin.u32 v1, $0x200  }
0xb8: {  	s12 =	simm.s32 $0x8;
	v51 =	vadd.s32 s8, v0;
	v54 =	vadd.s32 s30, v0;
	s7 =	simm.s32 $0x4;
	s8 =	simm.s32 $0x6;
	v3 =	vshll.u32 v1, $0x7;
	v1 =	vld [tilespmem:$0x1FFF0]  }
0xb9: {  	s30 =	simm.s32 $0xC;
	v10 =	vadd.s32 s12, v0;
	v63 =	vadd.s32 s7, v0;
	v62 =	vadd.s32 s8, v0;
	s12 =	simm.s32 $0xB  }
0xba: {  	v42 =	vadd.s32 s30, v0;
	v58 =	vadd.s32 s12, v0;
	v22 =	vor.u32 v0, v3  }
0xbb: {  	v19 =	vor.u32 v3, v18;
	v56 =	vor.u32 v3, v9;
	v20 =	vor.u32 v3, v23  }
0xbc: {  	s31 =	simm.s32 $0x12;
	v14 =	vor.u32 v3, v15;
	v24 =	vor.u32 v3, v11;
	v30 =	vor.u32 v3, v27  }
0xbd: {  	v31 =	vor.u32 v3, v7;
	v2 =	vor.u32 v1, v2;
	v1 =	vadd.s32 s31, v0  }
0xbe: {  	v40 =	vor.u32 v3, v38;
	v52 =	vor.u32 v3, v10;
	s31 =	simm.s32 $0x13;
	v17 =	vand.u32 $0x7F, v1  }
0xbf: {  	v13 =	vor.u32 s26, v22;
	v12 =	vadd.s32 s31, v0;
	s31 =	simm.s32 $0x1E;
	v5 =	vor.u32 v2, v17  }
0xc0: {  	v45 =	vor.u32 v3, v63;
	v21 =	vadd.s32 s31, v0;
	v32 =	vand.u32 $0x7F, v12;
	[tilespmem:$0x1FF50] =	vst v5  }
0xc1: {  	s1 =	simm.s32 $0x15;
	v25 =	vor.u32 v0, v2;
	v28 =	vand.u32 $0x7F, v21;
	v33 =	vor.u32 v3, v32;
	v35 =	vld.idx.msk [tilespmem:v14+s4+$0x0], $0xffff  }
0xc2: {  	v1 =	vadd.s32 s1, v0;
	v12 =	vand.u32 $0x7F, v16;
	v21 =	vor.u32 v3, v28;
	v31 =	vld.idx.msk [tilespmem:v31+s4+$0x0], $0xffff  }
0xc3: {  	v8 =	vor.u32 v2, v4;
	v11 =	vor.u32 v2, v11;
	v36 =	vor.u32 v3, v12;
	v48 =	vld.idx.msk [tilespmem:v30+s4+$0x0], $0xffff  }
0xc4: {  	v34 =	vor.u32 v2, v7;
	v50 =	vor.u32 v2, v15;
	v27 =	vor.u32 v2, v27;
	v41 =	vld.idx.msk [tilespmem:v13+s4+$0x0], $0xffff  }
0xc5: {  	v53 =	vor.u32 v2, v38;
	v7 =	vor.u32 v3, v62;
	v1 =	vand.u32 $0x7F, v1;
	v47 =	vld.idx.msk [tilespmem:v40+s4+$0x0], $0xffff  }
0xc6: {  	v38 =	vor.u32 v2, v39;
	v37 =	vor.u32 v3, v1;
	v30 =	vor.u32 v2, v32;
	v32 =	vld.idx.msk [tilespmem:v33+s4+$0x0], $0xffff  }
0xc7: {  	v39 =	vor.u32 v3, v39;
	v57 =	vor.u32 v2, v18;
	v18 =	vor.u32 v2, v63;
	v44 =	vld.idx.msk [tilespmem:v21+s4+$0x0], $0xffff  }
0xc8: {  	s31 =	simm.s32 $0x3;
	v16 =	vand.u32 $0x7F, v29;
	v21 =	vor.u32 v2, v10;
	v10 =	vld.idx.msk [tilespmem:v36+s4+$0x0], $0xffff;
	v36 =	vor.u32 v3, v54  }
0xc9: {  	v61 =	vor.u32 s26, v25;
	v29 =	vadd.s32 s31, v0;
	v1 =	vor.u32 v2, v1;
	v46 =	vld.idx.msk [tilespmem:v24+s4+$0x0], $0xffff  }
0xca: {  	v5 =	vor.u32 v3, v58;
	v14 =	vor.u32 v2, v12;
	v15 =	vor.u32 v2, v29;
	v40 =	vld.idx.msk [tilespmem:v52+s4+$0x0], $0xffff  }
0xcb: {  	v60 =	vor.u32 v2, v28;
	v28 =	vor.u32 v3, v43;
	v37 =	vld.idx.msk [tilespmem:v37+s4+$0x0], $0xffff;
	[tilespmem:v50+s20+$0x0] =	vst.idx.msk $0xffff, v35  }
0xcc: {  	s1 =	simm.s32 $0x10;
	v13 =	vor.u32 v2, v51;
	v33 =	vld.idx.msk [tilespmem:v19+s4+$0x0], $0xffff;
	v19 =	vor.u32 v3, v29;
	[tilespmem:v30+s20+$0x0] =	vst.idx.msk $0xffff, v32  }
0xcd: {  	s31 =	simm.s32 $0x14;
	v12 =	vor.u32 s1, v25;
	v24 =	vor.u32 v3, v49;
	v52 =	vor.u32 v2, v43;
	v30 =	vld.idx.msk [tilespmem:v36+s4+$0x0], $0xffff;
	[tilespmem:$0x1FF60] =	vst v25  }
0xce: {  	v55 =	vadd.s32 s31, v0;
	s31 =	simm.s32 $0xA;
	v43 =	vor.u32 v2, v42;
	v32 =	vor.u32 v2, v54;
	[tilespmem:v34+s20+$0x0] =	vst.idx.msk $0xffff, v31  }
0xcf: {  	v36 =	vand.u32 $0x7F, v55;
	v55 =	vadd.s32 s31, v0;
	v29 =	vld.idx.msk [tilespmem:v56+s4+$0x0], $0xffff;
	v56 =	vor.u32 v2, v23;
	[tilespmem:v27+s20+$0x0] =	vst.idx.msk $0xffff, v48  }
0xd0: {  	v50 =	vld.idx.msk [tilespmem:v28+s4+$0x0], $0xffff;
	[tilespmem:v1+s20+$0x0] =	vst.idx.msk $0xffff, v37;
	v31 =	vor.u32 v2, v58;
	v58 =	vor.u32 v3, v17  }
0xd1: {  	v1 =	vand.u32 $0x7F, v59;
	v48 =	vld.idx.msk [tilespmem:v19+s4+$0x0], $0xffff;
	v19 =	vor.u32 v2, v49;
	v28 =	vor.u32 v3, v4  }
0xd2: {  	v37 =	vld.idx.msk [tilespmem:v5+s4+$0x0], $0xffff;
	v59 =	vor.u32 v3, v6;
	[tilespmem:v60+s20+$0x0] =	vst.idx.msk $0xffff, v44;
	v34 =	vor.u32 v2, v62  }
0xd3: {  	v27 =	vor.u32 v2, v55;
	v60 =	vor.u32 v3, v36;
	v54 =	vld.idx.msk [tilespmem:v39+s4+$0x0], $0xffff;
	v39 =	vor.u32 v3, v55  }
0xd4: {  	v35 =	vld.idx.msk [tilespmem:v20+s4+$0x0], $0xffff;
	v62 =	vor.u32 s1, v22;
	v36 =	vor.u32 v2, v36;
	v23 =	vor.u32 v3, v1;
	[tilespmem:$0x1FF70] =	vst v22  }
0xd5: {  	s29 =	simm.s32 $0x20;
	v44 =	vor.u32 v3, v51;
	v51 =	vor.u32 v3, v16;
	v17 =	vor.u32 v2, v1;
	v49 =	vld.idx.msk [tilespmem:v7+s4+$0x0], $0xffff  }
.LBB2_12:
0xd6: {  	v7 =	vmov v8;
	[tilespmem:v15+s20+$0x0] =	vst.idx.msk $0xffff, v48  }
0xd7: {  	v63 =	vor.u32 v2, v6;
	v6 =	vmov v11;
	[tilespmem:$0x1FF30] =	vst v7  }
0xd8: {  	v5 =	vmov v43;
	[tilespmem:$0x1FF10] =	vst v6  }
0xd9: {  	v1 =	vor.u32 v3, v42;
	v42 =	vld.idx.msk [tilespmem:v23+s4+$0x0], $0xffff;
	[tilespmem:$0x1FF20] =	vst v5  }
0xda: {  	v43 =	vld.idx.msk [tilespmem:v45+s4+$0x0], $0xffff;
	[tilespmem:v61+s20+$0x0] =	vst.idx.msk $0xffff, v41  }
0xdb: {  	v26 =	vld [tilespmem:$0x1FF70];
	[tilespmem:v53+s20+$0x0] =	vst.idx.msk $0xffff, v47  }
0xdc: {  	v4 =	vor.u32 v2, v9;
	v15 =	vld.idx.msk [tilespmem:v60+s4+$0x0], $0xffff;
	[tilespmem:v56+s20+$0x0] =	vst.idx.msk $0xffff, v35  }
0xdd: {  	s0 =	sadd.s32 $0x11, s29;
	s1 =	sadd.s32 $0x12, s29;
	v23 =	vmov v46;
	s7 =	sadd.s32 $0x16, s29;
	v46 =	vor.u32 v2, v16;
	v24 =	vld.idx.msk [tilespmem:v24+s4+$0x0], $0xffff;
	[tilespmem:v57+s20+$0x0] =	vst.idx.msk $0xffff, v33  }
0xde: {  	s12 =	sadd.s32 $0x19, s29;
	v20 =	vld [tilespmem:$0x1FF50];
	v11 =	vadd.s32 s0, v0;
	v6 =	vadd.s32 s1, v0;
	s1 =	sadd.s32 $0x15, s29;
	v16 =	vadd.s32 s7, v0;
	[tilespmem:v21+s20+$0x0] =	vst.idx.msk $0xffff, v40  }
0xdf: {  	v55 =	vmovc v14;
	s31 =	smov.u32 s29;
	s8 =	sadd.s32 $0xF, s29;
	v5 =	vld.idx.msk [tilespmem:v28+s4+$0x0], $0xffff;
	s0 =	sadd.s32 $0x17, s29;
	v9 =	vadd.s32 s12, v0;
	v28 =	vand.u32 $0x7F, v6;
	v14 =	vadd.s32 s1, v0;
	[tilespmem:v38+s20+$0x0] =	vst.idx.msk $0xffff, v54  }
0xe0: {  	s2 =	sadd.s32 $0x13, s29;
	s12 =	sadd.s32 $0xD, s31;
	v6 =	vadd.s32 s8, v0;
	v8 =	vadd.s32 s0, v0;
	v9 =	vand.u32 $0x7F, v9;
	v41 =	vld.idx.msk [tilespmem:v39+s4+$0x0], $0xffff;
	[tilespmem:v52+s20+$0x0] =	vst.idx.msk $0xffff, v50  }
0xe1: {  	s0 =	sadd.s32 $0x18, s29;
	s8 =	sadd.s32 $0x1B, s31;
	v39 =	vand.u32 $0x7F, v8;
	v53 =	vld.idx.msk [tilespmem:v44+s4+$0x0], $0xffff;
	v35 =	vadd.s32 s12, v0;
	v61 =	vadd.s32 s2, v0;
	[tilespmem:v32+s20+$0x0] =	vst.idx.msk $0xffff, v30  }
0xe2: {  	s7 =	sadd.s32 $0xE, s29;
	v56 =	vor.u32 v3, v9;
	v33 =	vadd.s32 s8, v0;
	v21 =	vld.idx.msk [tilespmem:v62+s4+$0x0], $0xffff;
	v54 =	vadd.s32 s0, v0;
	[tilespmem:v31+s20+$0x0] =	vst.idx.msk $0xffff, v37  }
0xe3: {  	s2 =	sadd.s32 $0x1A, s31;
	v40 =	vld.idx.msk [tilespmem:v58+s4+$0x0], $0xffff;
	v58 =	vadd.s32 s7, v0;
	v52 =	vand.u32 $0x7F, v11;
	v37 =	vand.u32 $0x7F, v16;
	[tilespmem:v34+s20+$0x0] =	vst.idx.msk $0xffff, v49  }
0xe4: {  	s7 =	sadd.s32 $0x1F, s31;
	v47 =	vor.u32 s31, v26;
	v45 =	vor.u32 v3, v39;
	v44 =	vld.idx.msk [tilespmem:v1+s4+$0x0], $0xffff;
	v1 =	vadd.s32 s2, v0;
	[tilespmem:v4+s20+$0x0] =	vst.idx.msk $0xffff, v29  }
0xe5: {  	s12 =	sadd.s32 $0x1C, s31;
	v8 =	vor.u32 v2, v35;
	v50 =	vor.u32 v3, v58;
	v7 =	vadd.s32 s7, v0;
	[tilespmem:v36+s20+$0x0] =	vst.idx.msk $0xffff, v15  }
0xe6: {  	v11 =	vor.u32 v2, v58;
	v32 =	vadd.s32 s12, v0;
	v4 =	vor.u32 v3, v52;
	[tilespmem:v55+s20+$0x0] =	vst.idx.msk $0xffff, v10  }
0xe7: {  	s8 =	sadd.s32 $0x1E, s31;
	s2 =	sadd.s32 $0x1D, s31;
	v29 =	vor.u32 v2, v52;
	[tilespmem:v19+s20+$0x0] =	vst.idx.msk $0xffff, v24;
	v57 =	vand.u32 $0x7F, v1;
	v1 =	vand.u32 $0x7F, v33  }
0xe8: {  	v30 =	vld.idx.msk [tilespmem:v59+s4+$0x0], $0xffff;
	s12 =	sadd.s32 $0x2, s31;
	[tilespmem:$0x1FF40] =	vst v5;
	v62 =	vadd.s32 s2, v0;
	v5 =	vadd.s32 s8, v0;
	v33 =	vor.u32 v3, v1  }
0xe9: {  	v38 =	vld.idx.msk [tilespmem:v51+s4+$0x0], $0xffff;
	[tilespmem:v17+s20+$0x0] =	vst.idx.msk $0xffff, v42;
	v7 =	vand.u32 $0x7F, v7;
	v16 =	vand.u32 $0x7F, v32;
	v34 =	vadd.s32 s12, v0  }
0xea: {  	[tilespmem:v18+s20+$0x0] =	vst.idx.msk $0xffff, v43;
	v18 =	vld [tilespmem:$0x1FF10];
	v51 =	vor.u32 v3, v57;
	v5 =	vand.u32 $0x7F, v5;
	v58 =	vor.u32 v3, v7  }
0xeb: {  	s8 =	sadd.s32 $0x1, s31;
	s2 =	sadd.s32 $0x6, s31;
	v1 =	vor.u32 v2, v1;
	v48 =	vor.u32 v3, v5;
	[tilespmem:v12+s20+$0x0] =	vst.idx.msk $0xffff, v21;
	v21 =	vand.u32 $0x7F, v61;
	v61 =	vld [tilespmem:$0x1FF60]  }
0xec: {  	v60 =	vadd.s32 s8, v0;
	v7 =	vor.u32 v2, v7;
	v22 =	vadd.s32 s2, v0;
	[tilespmem:v20+s20+$0x0] =	vst.idx.msk $0xffff, v40;
	v4 =	vld.idx.msk [tilespmem:v4+s4+$0x0], $0xffff  }
0xed: {  	v24 =	vor.u32 v3, v34;
	[tilespmem:v63+s20+$0x0] =	vst.idx.msk $0xffff, v30;
	v52 =	vld.idx.msk [tilespmem:v33+s4+$0x0], $0xffff;
	v33 =	vor.u32 v3, v21  }
0xee: {  	s8 =	sadd.s32 $0x3, s31;
	v5 =	vor.u32 v2, v5;
	v25 =	vor.u32 v3, v22;
	[tilespmem:v27+s20+$0x0] =	vst.idx.msk $0xffff, v41;
	v41 =	vld.idx.msk [tilespmem:v47+s4+$0x0], $0xffff  }
0xef: {  	v32 =	vadd.s32 s8, v0;
	v40 =	vand.u32 $0x7F, v14;
	v30 =	vor.u32 v3, v37;
	[tilespmem:v46+s20+$0x0] =	vst.idx.msk $0xffff, v38;
	v46 =	vld.idx.msk [tilespmem:v50+s4+$0x0], $0xffff  }
0xf0: {  	s7 =	sadd.s32 $0x4, s31;
	s8 =	sadd.s32 $0x7, s31;
	v12 =	vand.u32 $0x7F, v62;
	v20 =	vor.u32 v2, v28;
	v31 =	vor.u32 v3, v40;
	v62 =	vld.idx.msk [tilespmem:v48+s4+$0x0], $0xffff  }
0xf1: {  	v55 =	vadd.s32 s7, v0;
	v63 =	vadd.s32 s8, v0;
	[tilespmem:v13+s20+$0x0] =	vst.idx.msk $0xffff, v53;
	s8 =	sadd.s32 $0xB, s31;
	v59 =	vor.u32 v3, v12;
	v48 =	vld.idx.msk [tilespmem:v58+s4+$0x0], $0xffff  }
0xf2: {  	s12 =	sadd.s32 $0x5, s31;
	v49 =	vor.u32 v2, v40;
	v40 =	vor.u32 v2, v21;
	v17 =	vadd.s32 s8, v0;
	v27 =	vld.idx.msk [tilespmem:v33+s4+$0x0], $0xffff  }
0xf3: {  	v36 =	vadd.s32 s12, v0;
	s12 =	sadd.s32 $0x8, s31;
	v53 =	vor.u32 v2, v37;
	v37 =	vor.u32 v3, v17;
	[tilespmem:v18+s20+$0x0] =	vst.idx.msk $0xffff, v23;
	v18 =	vld [tilespmem:$0x1FF20]  }
0xf4: {  	v15 =	vor.u32 v2, v32;
	v38 =	vor.u32 v2, v60;
	v21 =	vadd.s32 s12, v0;
	s12 =	sadd.s32 $0x9, s31;
	v47 =	vld.idx.msk [tilespmem:v30+s4+$0x0], $0xffff  }
0xf5: {  	[tilespmem:$0x1FF50] =	vst v20;
	v14 =	vor.u32 v2, v12;
	v13 =	vor.u32 v3, v21;
	v58 =	vadd.s32 s12, v0;
	v31 =	vld.idx.msk [tilespmem:v31+s4+$0x0], $0xffff  }
0xf6: {  	s30 =	sadd.s32 $0x10, s29;
	s1 =	sadd.s32 $0x14, s29;
	v21 =	vor.u32 v2, v21;
	v19 =	vor.u32 v3, v58;
	v10 =	vld.idx.msk [tilespmem:v59+s4+$0x0], $0xffff;
	[tilespmem:v29+s20+$0x0] =	vst.idx.msk $0xffff, v4  }
0xf7: {  	v20 =	vadd.s32 s1, v0;
	s12 =	sadd.s32 $0xC, s31;
	v12 =	vor.u32 s30, v61;
	v29 =	vld.idx.msk [tilespmem:v56+s4+$0x0], $0xffff;
	[tilespmem:v40+s20+$0x0] =	vst.idx.msk $0xffff, v27;
	v27 =	vor.u32 v3, v32  }
0xf8: {  	s0 =	sadd.s32 $0xA, s31;
	v42 =	vadd.s32 s12, v0;
	v61 =	vor.u32 s31, v61;
	v59 =	vor.u32 v3, v36;
	v37 =	vld.idx.msk [tilespmem:v37+s4+$0x0], $0xffff;
	[tilespmem:v1+s20+$0x0] =	vst.idx.msk $0xffff, v52  }
0xf9: {  	v4 =	vadd.s32 s0, v0;
	v33 =	vld.idx.msk [tilespmem:v45+s4+$0x0], $0xffff;
	v1 =	vand.u32 $0x7F, v20;
	v52 =	vor.u32 v2, v36;
	[tilespmem:v7+s20+$0x0] =	vst.idx.msk $0xffff, v48  }
0xfa: {  	v7 =	vor.u32 v3, v60;
	v60 =	vor.u32 v3, v1;
	v36 =	vor.u32 v2, v1;
	v1 =	vld [tilespmem:$0x1FF30]  }
0xfb: {  	v56 =	vor.u32 v2, v57;
	v43 =	vor.u32 v2, v42;
	v57 =	vor.u32 v2, v39;
	v30 =	vld.idx.msk [tilespmem:v19+s4+$0x0], $0xffff  }
0xfc: {  	v39 =	vor.u32 v3, v4;
	v45 =	vor.u32 v3, v55;
	[tilespmem:v5+s20+$0x0] =	vst.idx.msk $0xffff, v62;
	v48 =	vld.idx.msk [tilespmem:v27+s4+$0x0], $0xffff  }
0xfd: {  	p0 =	slt.u32 s29, $0x60;
	v19 =	vor.u32 v2, v34;
	v34 =	vor.u32 v2, v22;
	v27 =	vor.u32 v2, v4;
	v4 =	vld [tilespmem:$0x1FF40]  }
.Ltmp7:
0xfe: {  	v62 =	vor.u32 s30, v26;
	v50 =	vld.idx.msk [tilespmem:v59+s4+$0x0], $0xffff;
	[tilespmem:v49+s20+$0x0] =	vst.idx.msk $0xffff, v31;
	v31 =	vor.u32 v2, v17;
	v17 =	vand.u32 $0x7F, v54;
	(pc) =	sbr.rel @p0 .LBB2_12-.Ltmp7, $4  }
0xff: {  	v59 =	vor.u32 v3, v6;
	v49 =	vld.idx.msk [tilespmem:v25+s4+$0x0], $0xffff;
	[tilespmem:v18+s20+$0x0] =	vst.idx.msk $0xffff, v44;
	v23 =	vor.u32 v3, v17  }
0x100: {  	v17 =	vor.u32 v2, v17;
	v18 =	vor.u32 v2, v55;
	v44 =	vor.u32 v3, v63;
	v40 =	vld.idx.msk [tilespmem:v13+s4+$0x0], $0xffff  }
0x101: {  	v32 =	vor.u32 v2, v58;
	v58 =	vor.u32 v3, v28;
	v28 =	vor.u32 v3, v35;
	v35 =	vld.idx.msk [tilespmem:v51+s4+$0x0], $0xffff  }
0x102: {  	s29 =	sadd.s32 $0x20, s29;
	v13 =	vor.u32 v2, v63;
	v51 =	vor.u32 v3, v16;
	v54 =	vld.idx.msk [tilespmem:v7+s4+$0x0], $0xffff;
	[tilespmem:v1+s20+$0x0] =	vst.idx.msk $0xffff, v4  }
0x103: {  	_ =	sdelay $0x3  }
0x104: {  	[tilespmem:v61+s20+$0x0] =	vst.idx.msk $0xffff, v41  }
0x105: {  	[tilespmem:v53+s20+$0x0] =	vst.idx.msk $0xffff, v47  }
0x106: {  	[tilespmem:v57+s20+$0x0] =	vst.idx.msk $0xffff, v33  }
0x107: {  	[tilespmem:v52+s20+$0x0] =	vst.idx.msk $0xffff, v50  }
0x108: {  	v1 =	vor.u32 v2, v9;
	[tilespmem:v32+s20+$0x0] =	vst.idx.msk $0xffff, v30  }
0x109: {  	v4 =	vld.idx.msk [tilespmem:v62+s4+$0x0], $0xffff;
	[tilespmem:v15+s20+$0x0] =	vst.idx.msk $0xffff, v48  }
0x10a: {  	[tilespmem:v21+s20+$0x0] =	vst.idx.msk $0xffff, v40  }
0x10b: {  	v6 =	vor.u32 v2, v6;
	v7 =	vld.idx.msk [tilespmem:v59+s4+$0x0], $0xffff;
	[tilespmem:v56+s20+$0x0] =	vst.idx.msk $0xffff, v35  }
0x10c: {  	v5 =	vld.idx.msk [tilespmem:v58+s4+$0x0], $0xffff;
	[tilespmem:v38+s20+$0x0] =	vst.idx.msk $0xffff, v54  }
0x10d: {  	v57 =	vld.idx.msk [tilespmem:v39+s4+$0x0], $0xffff;
	[tilespmem:v1+s20+$0x0] =	vst.idx.msk $0xffff, v29  }
0x10e: {  	v59 =	vld.idx.msk [tilespmem:v44+s4+$0x0], $0xffff;
	[tilespmem:v12+s20+$0x0] =	vst.idx.msk $0xffff, v4  }
0x10f: {  	v58 =	vld [tilespmem:$0x1FF50];
	[tilespmem:v31+s20+$0x0] =	vst.idx.msk $0xffff, v37  }
0x110: {  	v61 =	vld.idx.msk [tilespmem:v23+s4+$0x0], $0xffff;
	[tilespmem:v6+s20+$0x0] =	vst.idx.msk $0xffff, v7  }
0x111: {  	v3 =	vor.u32 v3, v42;
	v62 =	vld.idx.msk [tilespmem:v45+s4+$0x0], $0xffff;
	[tilespmem:v34+s20+$0x0] =	vst.idx.msk $0xffff, v49  }
0x112: {  	[tilespmem:v27+s20+$0x0] =	vst.idx.msk $0xffff, v57  }
0x113: {  	v1 =	vld.idx.msk [tilespmem:v60+s4+$0x0], $0xffff;
	[tilespmem:v13+s20+$0x0] =	vst.idx.msk $0xffff, v59  }
0x114: {  	v63 =	vld.idx.msk [tilespmem:v28+s4+$0x0], $0xffff;
	[tilespmem:v14+s20+$0x0] =	vst.idx.msk $0xffff, v10  }
0x115: {  	v60 =	vld.idx.msk [tilespmem:v24+s4+$0x0], $0xffff;
	[tilespmem:v17+s20+$0x0] =	vst.idx.msk $0xffff, v61  }
0x116: {  	v3 =	vld.idx.msk [tilespmem:v3+s4+$0x0], $0xffff;
	[tilespmem:v18+s20+$0x0] =	vst.idx.msk $0xffff, v62  }
0x117: {  	s28 =	sadd.s32 $0x1, s28;
	[tilespmem:v11+s20+$0x0] =	vst.idx.msk $0xffff, v46  }
0x118: {  	p0 =	sne.s32 s28, $0xA;
	[tilespmem:v36+s20+$0x0] =	vst.idx.msk $0xffff, v1;
	v1 =	vor.u32 v2, v16;
	v2 =	vld.idx.msk [tilespmem:v51+s4+$0x0], $0xffff  }
.Ltmp8:
0x119: {  	[tilespmem:v8+s20+$0x0] =	vst.idx.msk $0xffff, v63;
	(pc) =	sbr.rel @p0 .LBB2_11-.Ltmp8, $4  }
0x11a: {  	[tilespmem:v19+s20+$0x0] =	vst.idx.msk $0xffff, v60  }
0x11b: {  	[tilespmem:v43+s20+$0x0] =	vst.idx.msk $0xffff, v3  }
0x11c: {  	[tilespmem:v58+s20+$0x0] =	vst.idx.msk $0xffff, v5  }
0x11d: {  	[tilespmem:v1+s20+$0x0] =	vst.idx.msk $0xffff, v2  }
0x11e: {  	p0 =	seq.s32 s23, $0x13F  }
.Ltmp9:
0x11f: {  	_ = 	snop;
	(pc) =	sbr.rel @p0 .LBB2_16-.Ltmp9, $4  }
0x120: {  	s0 =	sadd.s32 s24, s10  }
0x121: {  	s0 =	sshll.u32 s0, $0x4  }
0x122: {  	s0 =	sadd.s32 s3, s0  }
0x123: {  	[hbm4b:s0+s4] =	stream.linear.scatter [tilespmem:s20], [sflag:$0x5], $0x5000, $0x38;
	[tilespmem:$0x1A280] =	vst v63  }
.Ltmp10:
0x124: {  	(pc) =	sbr.rel .LBB2_2-.Ltmp10, $4  }
0x125: {  	s0 =	sadd.s32 s24, s11  }
0x126: {  	s0 =	sshrl.u32 s0, $0x3  }
0x127: {  	s23 =	smov.u32 s25;
	s0 =	sadd.s32 s6, s0  }
0x128: {  	[tilespmem:s14], [sflag:$0x3] =	stream.linear.gather [hbm4b:s0+s4], $0xA0, $0x38;
	[tilespmem:$0x1A280] =	vst v63  }
.LBB2_17:
0x129: {  	_ =	sfence.sel $0x180000  }
0x12a: {  	[bflag:$0x0] =	sbarrier.arrive $0xFFFF  }
0x12b: {  	_ =	strace $0x90000047  }
0x12c: {  	s0 =	stileid.u32;
	[bflag:$0x2] =	sbarrier.arrive $0xFFFF  }
0x12d: {  	p0 =	sne.s32 s0, $0x0;
	s0 =	rddreg [dreg:$0x3]  }
0x12e: {  	s0 =	sadd.s32 @!p0 $0x100000, s0  }
0x12f: {  	[sflag:s0] =	ssyncadd.tile.s32 @!p0 $0x1;
	_ =	shalt  }
.Lfunc_end2:
_tile_overlayer_lowered:
.L_overlay_start_2:
0x130: {  	(tag) =	ssettag $0x2  }
0x131: {  	s0 =	rddreg [dreg:$0x0];
	s2 =	stileid.u32  }
0x132: {  	s1 =	rddreg [dreg:$0x1];
	p0 =	sne.s32 s2, $0x0  }
0x133: {  	s3 =	rddreg [dreg:$0x2];
	[bflag:$0x3] =	sbarrier.arrive $0xFFFF;
	s2 =	simm.s32 @!p0 $0x1C06  }
0x134: {  	[timem:s3], [sflag:s2] =	dma.local @!p0 [hbm:s0], s1  }
0x135: {  	s0 =	simm.s32 @!p0 $0x6  }
0x136: {  	_ =	swait.ge @!p0 [sflag:s0], s1  }
0x137: {  	s1 =	ssub.s32 @!p0 $0x0, s1;
	[sflag:s0] =	ssyncset.done @!p0 $0x0  }
0x138: {  	[sflag:s0] =	ssyncadd.s32 @!p0 s1  }
0x139: {  	[bflag:$0x3] =	sbarrier.arrive $0xFFFF  }
0x13a: {  	_ =	shalt  }

</sc_bundles>
